<compile_context>
chip_gen: v7x
topology: tpu7x:2x2x1
jax: 0.10.2.dev20260603
libtpu: 0.0.44.dev20260713+nightly
codegen_flags: <defaults>
</compile_context>

<pallas_src>
import functools

import jax
import jax.numpy as jnp
from jax import lax
from jax.experimental import pallas as pl
from jax.experimental.pallas import tpu as pltpu
from jax.experimental.pallas import tpu_sc as plsc

D = 1024
NW = 32
CH = 16
RING = 4
EPS = 1e-5


def _make_gather(N):
    rows_per_w = N // NW
    nch = rows_per_w // CH
    assert nch % RING == 0
    mesh = plsc.VectorSubcoreMesh(core_axis_name="c", subcore_axis_name="s")

    @functools.partial(
        pl.kernel,
        mesh=mesh,
        compiler_params=pltpu.CompilerParams(needs_layout_passes=False),
        out_type=jax.ShapeDtypeStruct((N, D), jnp.float32),
        scratch_types=[
            pltpu.VMEM((rows_per_w,), jnp.int32),
            pltpu.VMEM((RING, CH, D), jnp.float32),
        ]
        + [pltpu.SemaphoreType.DMA] * (2 * RING),
    )
    def k(ids_hbm, tok_hbm, out_hbm, idx_v, buf, *sems):
        gsems = sems[:RING]
        osems = sems[RING:]
        wid = lax.axis_index("s") * 2 + lax.axis_index("c")
        base = wid * rows_per_w

        pltpu.sync_copy(ids_hbm.at[pl.ds(base, rows_per_w)], idx_v)

        def gather(c, slot):
            pltpu.async_copy(
                tok_hbm.at[idx_v.at[pl.ds(c * CH, CH)]], buf.at[slot],
                gsems[slot])

        for slot in range(RING):
            gather(slot, slot)

        def g_body(g, _):
            for slot in range(RING):
                c = RING * g + slot
                pltpu.make_async_copy(
                    tok_hbm.at[pl.ds(0, CH)], buf.at[slot],
                    gsems[slot]).wait()
                pltpu.async_copy(
                    buf.at[slot], out_hbm.at[pl.ds(base + c * CH, CH)],
                    osems[slot])

                @pl.when(c + RING < nch)
                def _():
                    pltpu.make_async_copy(
                        buf.at[slot], out_hbm.at[pl.ds(0, CH)],
                        osems[slot]).wait()
                    gather(c + RING, slot)
            return 0

        lax.fori_loop(0, nch // RING, g_body, 0)

        for slot in range(RING):
            pltpu.make_async_copy(
                buf.at[slot], out_hbm.at[pl.ds(0, CH)], osems[slot]).wait()

    return k


def _ln_body(x_ref, pos_ref, g_ref, b_ref, o_ref):
    x = x_ref[...] + pos_ref[...]
    mean = jnp.mean(x, axis=-1, keepdims=True)
    var = jnp.mean(x * x, axis=-1, keepdims=True) - mean * mean
    rstd = lax.rsqrt(var + EPS)
    o_ref[...] = (x - mean) * rstd * g_ref[...] + b_ref[...]


def _make_ln(B, S, rb):
    grid = (S // rb, B)
    return pl.pallas_call(
        _ln_body,
        grid=grid,
        in_specs=[
            pl.BlockSpec((rb, D), lambda s, b: (b * (S // rb) + s, 0)),
            pl.BlockSpec((rb, D), lambda s, b: (s, 0)),
            pl.BlockSpec((1, D), lambda s, b: (0, 0)),
            pl.BlockSpec((1, D), lambda s, b: (0, 0)),
        ],
        out_specs=pl.BlockSpec((rb, D), lambda s, b: (b * (S // rb) + s, 0)),
        out_shape=jax.ShapeDtypeStruct((B * S, D), jnp.float32),
        compiler_params=pltpu.CompilerParams(
            dimension_semantics=("arbitrary", "arbitrary")),
    )


def kernel(input_ids, token_table, pos_table, ln_gamma, ln_beta):
    B, S = input_ids.shape
    N = B * S
    ids = input_ids.reshape(N).astype(jnp.int32)
    gathered = _make_gather(N)(ids, token_table)
    out = _make_ln(B, S, 256)(
        gathered,
        pos_table[:S],
        ln_gamma.reshape(1, D),
        ln_beta.reshape(1, D),
    )
    return out.reshape(B, S, D)

# --- scband reference (transcript-rebuilt; emitter-appended) ---
"""Pipeline reference for scband-embeddings-52553219834655 (READ-ONLY COPY).

The authoritative reference and input builder live on the scoring server;
editing this copy changes nothing except your own understanding.
"""

import jax, jax.numpy as jnp
import numpy as np

VOCAB = 100000
MAX_POS = 8192
D_MODEL = 1024
B = 4
S = 4096
EPS = 1e-5

def setup_inputs(seed: int = 0) -> dict:
    key = jax.random.key(seed)
    k1, k2, k3 = jax.random.split(key, 3)
    input_ids = jax.random.randint(k1, (B, S), 0, VOCAB, dtype=jnp.int64 if jax.config.jax_enable_x64 else jnp.int32)
    token_table = jax.random.normal(k2, (VOCAB, D_MODEL), dtype=jnp.float32)
    pos_table = jax.random.normal(k3, (MAX_POS, D_MODEL), dtype=jnp.float32)
    ln_gamma = jnp.ones((D_MODEL,), dtype=jnp.float32)
    ln_beta = jnp.zeros((D_MODEL,), dtype=jnp.float32)
    return {"input_ids": input_ids, "token_table": token_table, "pos_table": pos_table, "ln_gamma": ln_gamma, "ln_beta": ln_beta}

def reference(input_ids, token_table, pos_table, ln_gamma, ln_beta):
    batch_size, seq_len = input_ids.shape
    position_ids = jnp.arange(seq_len)[None, :]
    position_ids = jnp.broadcast_to(position_ids, (batch_size, seq_len))
    token_embeddings = jnp.take(token_table, input_ids, axis=0)
    position_embeddings = jnp.take(pos_table, position_ids, axis=0)
    embeddings = token_embeddings + position_embeddings
    mean = jnp.mean(embeddings, axis=-1, keepdims=True)
    var = jnp.mean(jnp.square(embeddings - mean), axis=-1, keepdims=True)
    normed = (embeddings - mean) / jnp.sqrt(var + EPS)
    return normed * ln_gamma + ln_beta

if __name__ == "__main__":
    import jax
    _d = setup_inputs()
    print(jax.jit(kernel)(*tuple(_d.values())))

</pallas_src>

<mosaic_0001>
#map = affine_map<(d0, d1) -> (0)>
#map1 = affine_map<(d0, d1) -> (0, 0)>
module attributes {stable_mosaic.version = 14 : i64} {
  func.func @k(%arg0: i32, %arg1: i32, %arg2: memref<16384xi32, #tpu.memory_space<hbm>>, %arg3: memref<100000x1024xf32, #tpu.memory_space<hbm>>, %arg4: memref<16384x1024xf32, #tpu.memory_space<hbm>>, %arg5: memref<512xi32, #tpu.memory_space<vmem>>, %arg6: memref<4x16x1024xf32, #tpu.memory_space<vmem>>, %arg7: memref<!tpu.dma_semaphore, #tpu.memory_space<semaphore_mem>>, %arg8: memref<!tpu.dma_semaphore, #tpu.memory_space<semaphore_mem>>, %arg9: memref<!tpu.dma_semaphore, #tpu.memory_space<semaphore_mem>>, %arg10: memref<!tpu.dma_semaphore, #tpu.memory_space<semaphore_mem>>, %arg11: memref<!tpu.dma_semaphore, #tpu.memory_space<semaphore_mem>>, %arg12: memref<!tpu.dma_semaphore, #tpu.memory_space<semaphore_mem>>, %arg13: memref<!tpu.dma_semaphore, #tpu.memory_space<semaphore_mem>>, %arg14: memref<!tpu.dma_semaphore, #tpu.memory_space<semaphore_mem>>) attributes {dimension_semantics = [#tpu.dimension_semantics<core_parallel>, #tpu.dimension_semantics<subcore_parallel>], iteration_bounds = array<i64: 2, 16>, scalar_prefetch = 0 : i64, scratch_operands = 10 : i64, tpu.core_type = #tpu.core_type<sc_vector_subcore>, window_params = [{transform_indices = #map}, {transform_indices = #map1}, {transform_indices = #map1}]} {
    %mul3A = arith.constant 2 : i32
    %mul3A_0 = arith.muli %arg1, %mul3A : i32
    %add3A = arith.addi %mul3A_0, %arg0 : i32
    %mul3A_1 = arith.constant 512 : i32
    %mul3A_2 = arith.muli %add3A, %mul3A_1 : i32
    "tpu.region"() ({
      %run_scoped3A = tpu.sem_alloc : memref<!tpu.dma_semaphore, #tpu.memory_space<semaphore_mem>>
      %dma_start3A_107 = tpu.memref_slice %arg2[%mul3A_2] : memref<16384xi32, #tpu.memory_space<hbm>> -> memref<512xi32, #tpu.memory_space<hbm>>
      %dma_start3A_108 = tpu.memref_slice %arg2[%mul3A_2] : memref<16384xi32, #tpu.memory_space<hbm>> -> memref<512xi32, #tpu.memory_space<hbm>>
      tpu.enqueue_dma source(%dma_start3A_108 : memref<512xi32, #tpu.memory_space<hbm>>) target(%arg5 : memref<512xi32, #tpu.memory_space<vmem>>) target_semaphore(%run_scoped3A : memref<!tpu.dma_semaphore, #tpu.memory_space<semaphore_mem>>)
      %dma_wait3A_109 = tpu.memref_slice %arg2[%mul3A_2] : memref<16384xi32, #tpu.memory_space<hbm>> -> memref<512xi32, #tpu.memory_space<hbm>>
      %dma_wait3A_110 = tpu.memref_slice %arg2[%mul3A_2] : memref<16384xi32, #tpu.memory_space<hbm>> -> memref<512xi32, #tpu.memory_space<hbm>>
      tpu.wait_dma2 semaphore(%run_scoped3A : memref<!tpu.dma_semaphore, #tpu.memory_space<semaphore_mem>>) src(%dma_wait3A_110 : memref<512xi32, #tpu.memory_space<hbm>>) dst(%arg5 : memref<512xi32, #tpu.memory_space<vmem>>)
      tpu.yield
    }) : () -> ()
    %dma_start3A = arith.constant 0 : i32
    %dma_start3A_3 = arith.constant 0 : i32
    %dma_start3A_4 = arith.constant 0 : i32
    %dma_start3A_5 = tpu.memref_slice %arg6[%dma_start3A, %dma_start3A_3, %dma_start3A_4] : memref<4x16x1024xf32, #tpu.memory_space<vmem>> -> memref<1x16x1024xf32, #tpu.memory_space<vmem>>
    %dma_start3A_6 = tpu.memref_squeeze %dma_start3A_5 : memref<1x16x1024xf32, #tpu.memory_space<vmem>> -> memref<16x1024xf32, #tpu.memory_space<vmem>>
    %dma_start3A_7 = arith.constant 0 : i32
    %dma_start3A_8 = tpu.memref_slice %arg5[%dma_start3A_7] : memref<512xi32, #tpu.memory_space<vmem>> -> memref<16xi32, #tpu.memory_space<vmem>>
    %dma_start3A_9 = arith.constant 0 : i32
    %dma_start3A_10 = arith.constant 0 : i32
    %dma_start3A_11 = tpu.memref_slice %arg3[%dma_start3A_9, %dma_start3A_10] : memref<100000x1024xf32, #tpu.memory_space<hbm>> -> memref<100000x1024xf32, #tpu.memory_space<hbm>>
    tpu.enqueue_indirect_dma source(%dma_start3A_11 : memref<100000x1024xf32, #tpu.memory_space<hbm>>) target(%dma_start3A_6 : memref<16x1024xf32, #tpu.memory_space<vmem>>) offsets(%dma_start3A_8 : memref<16xi32, #tpu.memory_space<vmem>>) semaphore(%arg7 : memref<!tpu.dma_semaphore, #tpu.memory_space<semaphore_mem>>)
    %dma_start3A_12 = arith.constant 1 : i32
    %dma_start3A_13 = arith.constant 0 : i32
    %dma_start3A_14 = arith.constant 0 : i32
    %dma_start3A_15 = tpu.memref_slice %arg6[%dma_start3A_12, %dma_start3A_13, %dma_start3A_14] : memref<4x16x1024xf32, #tpu.memory_space<vmem>> -> memref<1x16x1024xf32, #tpu.memory_space<vmem>>
    %dma_start3A_16 = tpu.memref_squeeze %dma_start3A_15 : memref<1x16x1024xf32, #tpu.memory_space<vmem>> -> memref<16x1024xf32, #tpu.memory_space<vmem>>
    %dma_start3A_17 = arith.constant 16 : i32
    %dma_start3A_18 = tpu.memref_slice %arg5[%dma_start3A_17] : memref<512xi32, #tpu.memory_space<vmem>> -> memref<16xi32, #tpu.memory_space<vmem>>
    %dma_start3A_19 = arith.constant 0 : i32
    %dma_start3A_20 = arith.constant 0 : i32
    %dma_start3A_21 = tpu.memref_slice %arg3[%dma_start3A_19, %dma_start3A_20] : memref<100000x1024xf32, #tpu.memory_space<hbm>> -> memref<100000x1024xf32, #tpu.memory_space<hbm>>
    tpu.enqueue_indirect_dma source(%dma_start3A_21 : memref<100000x1024xf32, #tpu.memory_space<hbm>>) target(%dma_start3A_16 : memref<16x1024xf32, #tpu.memory_space<vmem>>) offsets(%dma_start3A_18 : memref<16xi32, #tpu.memory_space<vmem>>) semaphore(%arg8 : memref<!tpu.dma_semaphore, #tpu.memory_space<semaphore_mem>>)
    %dma_start3A_22 = arith.constant 2 : i32
    %dma_start3A_23 = arith.constant 0 : i32
    %dma_start3A_24 = arith.constant 0 : i32
    %dma_start3A_25 = tpu.memref_slice %arg6[%dma_start3A_22, %dma_start3A_23, %dma_start3A_24] : memref<4x16x1024xf32, #tpu.memory_space<vmem>> -> memref<1x16x1024xf32, #tpu.memory_space<vmem>>
    %dma_start3A_26 = tpu.memref_squeeze %dma_start3A_25 : memref<1x16x1024xf32, #tpu.memory_space<vmem>> -> memref<16x1024xf32, #tpu.memory_space<vmem>>
    %dma_start3A_27 = arith.constant 32 : i32
    %dma_start3A_28 = tpu.memref_slice %arg5[%dma_start3A_27] : memref<512xi32, #tpu.memory_space<vmem>> -> memref<16xi32, #tpu.memory_space<vmem>>
    %dma_start3A_29 = arith.constant 0 : i32
    %dma_start3A_30 = arith.constant 0 : i32
    %dma_start3A_31 = tpu.memref_slice %arg3[%dma_start3A_29, %dma_start3A_30] : memref<100000x1024xf32, #tpu.memory_space<hbm>> -> memref<100000x1024xf32, #tpu.memory_space<hbm>>
    tpu.enqueue_indirect_dma source(%dma_start3A_31 : memref<100000x1024xf32, #tpu.memory_space<hbm>>) target(%dma_start3A_26 : memref<16x1024xf32, #tpu.memory_space<vmem>>) offsets(%dma_start3A_28 : memref<16xi32, #tpu.memory_space<vmem>>) semaphore(%arg9 : memref<!tpu.dma_semaphore, #tpu.memory_space<semaphore_mem>>)
    %dma_start3A_32 = arith.constant 3 : i32
    %dma_start3A_33 = arith.constant 0 : i32
    %dma_start3A_34 = arith.constant 0 : i32
    %dma_start3A_35 = tpu.memref_slice %arg6[%dma_start3A_32, %dma_start3A_33, %dma_start3A_34] : memref<4x16x1024xf32, #tpu.memory_space<vmem>> -> memref<1x16x1024xf32, #tpu.memory_space<vmem>>
    %dma_start3A_36 = tpu.memref_squeeze %dma_start3A_35 : memref<1x16x1024xf32, #tpu.memory_space<vmem>> -> memref<16x1024xf32, #tpu.memory_space<vmem>>
    %dma_start3A_37 = arith.constant 48 : i32
    %dma_start3A_38 = tpu.memref_slice %arg5[%dma_start3A_37] : memref<512xi32, #tpu.memory_space<vmem>> -> memref<16xi32, #tpu.memory_space<vmem>>
    %dma_start3A_39 = arith.constant 0 : i32
    %dma_start3A_40 = arith.constant 0 : i32
    %dma_start3A_41 = tpu.memref_slice %arg3[%dma_start3A_39, %dma_start3A_40] : memref<100000x1024xf32, #tpu.memory_space<hbm>> -> memref<100000x1024xf32, #tpu.memory_space<hbm>>
    tpu.enqueue_indirect_dma source(%dma_start3A_41 : memref<100000x1024xf32, #tpu.memory_space<hbm>>) target(%dma_start3A_36 : memref<16x1024xf32, #tpu.memory_space<vmem>>) offsets(%dma_start3A_38 : memref<16xi32, #tpu.memory_space<vmem>>) semaphore(%arg10 : memref<!tpu.dma_semaphore, #tpu.memory_space<semaphore_mem>>)
    %scan3A = arith.constant 0 : i32
    %scan3A_42 = arith.constant 0 : i32
    %scan3A_43 = arith.constant 8 : i32
    %scan3A_44 = arith.addi %scan3A_42, %scan3A_43 : i32
    %scan3A_45 = arith.constant 1 : i32
    %scan3A_46 = scf.for %scan3A_107 = %scan3A_42 to %scan3A_44 step %scan3A_45 iter_args(%scan3A_108 = %scan3A) -> (i32)  : i32 {
      %mul3A_109 = arith.constant 4 : i32
      %mul3A_110 = arith.muli %mul3A_109, %scan3A_107 : i32
      %add3A_111 = arith.constant 0 : i32
      %add3A_112 = arith.addi %mul3A_110, %add3A_111 : i32
      %dma_wait3A_113 = arith.constant 0 : i32
      %dma_wait3A_114 = arith.constant 0 : i32
      %dma_wait3A_115 = arith.constant 0 : i32
      %dma_wait3A_116 = tpu.memref_slice %arg6[%dma_wait3A_113, %dma_wait3A_114, %dma_wait3A_115] : memref<4x16x1024xf32, #tpu.memory_space<vmem>> -> memref<1x16x1024xf32, #tpu.memory_space<vmem>>
      %dma_wait3A_117 = tpu.memref_squeeze %dma_wait3A_116 : memref<1x16x1024xf32, #tpu.memory_space<vmem>> -> memref<16x1024xf32, #tpu.memory_space<vmem>>
      %dma_wait3A_118 = arith.constant 0 : i32
      %dma_wait3A_119 = arith.constant 0 : i32
      %dma_wait3A_120 = tpu.memref_slice %arg3[%dma_wait3A_118, %dma_wait3A_119] : memref<100000x1024xf32, #tpu.memory_space<hbm>> -> memref<16x1024xf32, #tpu.memory_space<hbm>>
      %dma_wait3A_121 = arith.constant 0 : i32
      %dma_wait3A_122 = arith.constant 0 : i32
      %dma_wait3A_123 = tpu.memref_slice %arg6[%dma_wait3A_113, %dma_wait3A_121, %dma_wait3A_122] : memref<4x16x1024xf32, #tpu.memory_space<vmem>> -> memref<1x16x1024xf32, #tpu.memory_space<vmem>>
      %dma_wait3A_124 = tpu.memref_squeeze %dma_wait3A_123 : memref<1x16x1024xf32, #tpu.memory_space<vmem>> -> memref<16x1024xf32, #tpu.memory_space<vmem>>
      %dma_wait3A_125 = arith.constant 0 : i32
      %dma_wait3A_126 = arith.constant 0 : i32
      %dma_wait3A_127 = tpu.memref_slice %arg3[%dma_wait3A_125, %dma_wait3A_126] : memref<100000x1024xf32, #tpu.memory_space<hbm>> -> memref<16x1024xf32, #tpu.memory_space<hbm>>
      tpu.wait_dma2 semaphore(%arg7 : memref<!tpu.dma_semaphore, #tpu.memory_space<semaphore_mem>>) src(%dma_wait3A_127 : memref<16x1024xf32, #tpu.memory_space<hbm>>) dst(%dma_wait3A_124 : memref<16x1024xf32, #tpu.memory_space<vmem>>)
      %mul3A_128 = arith.constant 16 : i32
      %mul3A_129 = arith.muli %add3A_112, %mul3A_128 : i32
      %add3A_130 = arith.addi %mul3A_2, %mul3A_129 : i32
      %dma_start3A_131 = arith.constant 0 : i32
      %dma_start3A_132 = arith.constant 0 : i32
      %dma_start3A_133 = arith.constant 0 : i32
      %dma_start3A_134 = tpu.memref_slice %arg6[%dma_start3A_131, %dma_start3A_132, %dma_start3A_133] : memref<4x16x1024xf32, #tpu.memory_space<vmem>> -> memref<1x16x1024xf32, #tpu.memory_space<vmem>>
      %dma_start3A_135 = tpu.memref_squeeze %dma_start3A_134 : memref<1x16x1024xf32, #tpu.memory_space<vmem>> -> memref<16x1024xf32, #tpu.memory_space<vmem>>
      %dma_start3A_136 = arith.constant 0 : i32
      %dma_start3A_137 = tpu.memref_slice %arg4[%add3A_130, %dma_start3A_136] : memref<16384x1024xf32, #tpu.memory_space<hbm>> -> memref<16x1024xf32, #tpu.memory_space<hbm>>
      %dma_start3A_138 = arith.constant 0 : i32
      %dma_start3A_139 = tpu.memref_slice %arg4[%add3A_130, %dma_start3A_138] : memref<16384x1024xf32, #tpu.memory_space<hbm>> -> memref<16x1024xf32, #tpu.memory_space<hbm>>
      %dma_start3A_140 = arith.constant 0 : i32
      %dma_start3A_141 = arith.constant 0 : i32
      %dma_start3A_142 = tpu.memref_slice %arg6[%dma_start3A_131, %dma_start3A_140, %dma_start3A_141] : memref<4x16x1024xf32, #tpu.memory_space<vmem>> -> memref<1x16x1024xf32, #tpu.memory_space<vmem>>
      %dma_start3A_143 = tpu.memref_squeeze %dma_start3A_142 : memref<1x16x1024xf32, #tpu.memory_space<vmem>> -> memref<16x1024xf32, #tpu.memory_space<vmem>>
      tpu.enqueue_dma source(%dma_start3A_143 : memref<16x1024xf32, #tpu.memory_space<vmem>>) target(%dma_start3A_139 : memref<16x1024xf32, #tpu.memory_space<hbm>>) target_semaphore(%arg11 : memref<!tpu.dma_semaphore, #tpu.memory_space<semaphore_mem>>)
      %add3A_144 = arith.constant 4 : i32
      %add3A_145 = arith.addi %add3A_112, %add3A_144 : i32
      %lt3A = arith.constant 32 : i32
      %lt3A_146 = arith.cmpi slt, %add3A_145, %lt3A : i32
      %convert_element_type3A = arith.extui %lt3A_146 : i1 to i32
      %cond3A = arith.constant 0 : i32
      %cond3A_147 = arith.cmpi ne, %convert_element_type3A, %cond3A : i32
      scf.if %cond3A_147 {
        %dma_wait3A_275 = arith.constant 0 : i32
        %dma_wait3A_276 = arith.constant 0 : i32
        %dma_wait3A_277 = arith.constant 0 : i32
        %dma_wait3A_278 = tpu.memref_slice %arg6[%dma_wait3A_275, %dma_wait3A_276, %dma_wait3A_277] : memref<4x16x1024xf32, #tpu.memory_space<vmem>> -> memref<1x16x1024xf32, #tpu.memory_space<vmem>>
        %dma_wait3A_279 = tpu.memref_squeeze %dma_wait3A_278 : memref<1x16x1024xf32, #tpu.memory_space<vmem>> -> memref<16x1024xf32, #tpu.memory_space<vmem>>
        %dma_wait3A_280 = arith.constant 0 : i32
        %dma_wait3A_281 = arith.constant 0 : i32
        %dma_wait3A_282 = tpu.memref_slice %arg4[%dma_wait3A_280, %dma_wait3A_281] : memref<16384x1024xf32, #tpu.memory_space<hbm>> -> memref<16x1024xf32, #tpu.memory_space<hbm>>
        %dma_wait3A_283 = arith.constant 0 : i32
        %dma_wait3A_284 = arith.constant 0 : i32
        %dma_wait3A_285 = tpu.memref_slice %arg4[%dma_wait3A_283, %dma_wait3A_284] : memref<16384x1024xf32, #tpu.memory_space<hbm>> -> memref<16x1024xf32, #tpu.memory_space<hbm>>
        %dma_wait3A_286 = arith.constant 0 : i32
        %dma_wait3A_287 = arith.constant 0 : i32
        %dma_wait3A_288 = tpu.memref_slice %arg6[%dma_wait3A_275, %dma_wait3A_286, %dma_wait3A_287] : memref<4x16x1024xf32, #tpu.memory_space<vmem>> -> memref<1x16x1024xf32, #tpu.memory_space<vmem>>
        %dma_wait3A_289 = tpu.memref_squeeze %dma_wait3A_288 : memref<1x16x1024xf32, #tpu.memory_space<vmem>> -> memref<16x1024xf32, #tpu.memory_space<vmem>>
        tpu.wait_dma2 semaphore(%arg11 : memref<!tpu.dma_semaphore, #tpu.memory_space<semaphore_mem>>) src(%dma_wait3A_289 : memref<16x1024xf32, #tpu.memory_space<vmem>>) dst(%dma_wait3A_285 : memref<16x1024xf32, #tpu.memory_space<hbm>>)
        %add3A_290 = arith.constant 4 : i32
        %add3A_291 = arith.addi %add3A_112, %add3A_290 : i32
        %mul3A_292 = arith.constant 16 : i32
        %mul3A_293 = arith.muli %add3A_291, %mul3A_292 : i32
        %dma_start3A_294 = arith.constant 0 : i32
        %dma_start3A_295 = arith.constant 0 : i32
        %dma_start3A_296 = arith.constant 0 : i32
        %dma_start3A_297 = tpu.memref_slice %arg6[%dma_start3A_294, %dma_start3A_295, %dma_start3A_296] : memref<4x16x1024xf32, #tpu.memory_space<vmem>> -> memref<1x16x1024xf32, #tpu.memory_space<vmem>>
        %dma_start3A_298 = tpu.memref_squeeze %dma_start3A_297 : memref<1x16x1024xf32, #tpu.memory_space<vmem>> -> memref<16x1024xf32, #tpu.memory_space<vmem>>
        %dma_start3A_299 = tpu.memref_slice %arg5[%mul3A_293] : memref<512xi32, #tpu.memory_space<vmem>> -> memref<16xi32, #tpu.memory_space<vmem>>
        %dma_start3A_300 = arith.constant 0 : i32
        %dma_start3A_301 = arith.constant 0 : i32
        %dma_start3A_302 = tpu.memref_slice %arg3[%dma_start3A_300, %dma_start3A_301] : memref<100000x1024xf32, #tpu.memory_space<hbm>> -> memref<100000x1024xf32, #tpu.memory_space<hbm>>
        tpu.enqueue_indirect_dma source(%dma_start3A_302 : memref<100000x1024xf32, #tpu.memory_space<hbm>>) target(%dma_start3A_298 : memref<16x1024xf32, #tpu.memory_space<vmem>>) offsets(%dma_start3A_299 : memref<16xi32, #tpu.memory_space<vmem>>) semaphore(%arg7 : memref<!tpu.dma_semaphore, #tpu.memory_space<semaphore_mem>>)
      } else {
      }
      %mul3A_148 = arith.constant 4 : i32
      %mul3A_149 = arith.muli %mul3A_148, %scan3A_107 : i32
      %add3A_150 = arith.constant 1 : i32
      %add3A_151 = arith.addi %mul3A_149, %add3A_150 : i32
      %dma_wait3A_152 = arith.constant 1 : i32
      %dma_wait3A_153 = arith.constant 0 : i32
      %dma_wait3A_154 = arith.constant 0 : i32
      %dma_wait3A_155 = tpu.memref_slice %arg6[%dma_wait3A_152, %dma_wait3A_153, %dma_wait3A_154] : memref<4x16x1024xf32, #tpu.memory_space<vmem>> -> memref<1x16x1024xf32, #tpu.memory_space<vmem>>
      %dma_wait3A_156 = tpu.memref_squeeze %dma_wait3A_155 : memref<1x16x1024xf32, #tpu.memory_space<vmem>> -> memref<16x1024xf32, #tpu.memory_space<vmem>>
      %dma_wait3A_157 = arith.constant 0 : i32
      %dma_wait3A_158 = arith.constant 0 : i32
      %dma_wait3A_159 = tpu.memref_slice %arg3[%dma_wait3A_157, %dma_wait3A_158] : memref<100000x1024xf32, #tpu.memory_space<hbm>> -> memref<16x1024xf32, #tpu.memory_space<hbm>>
      %dma_wait3A_160 = arith.constant 0 : i32
      %dma_wait3A_161 = arith.constant 0 : i32
      %dma_wait3A_162 = tpu.memref_slice %arg6[%dma_wait3A_152, %dma_wait3A_160, %dma_wait3A_161] : memref<4x16x1024xf32, #tpu.memory_space<vmem>> -> memref<1x16x1024xf32, #tpu.memory_space<vmem>>
      %dma_wait3A_163 = tpu.memref_squeeze %dma_wait3A_162 : memref<1x16x1024xf32, #tpu.memory_space<vmem>> -> memref<16x1024xf32, #tpu.memory_space<vmem>>
      %dma_wait3A_164 = arith.constant 0 : i32
      %dma_wait3A_165 = arith.constant 0 : i32
      %dma_wait3A_166 = tpu.memref_slice %arg3[%dma_wait3A_164, %dma_wait3A_165] : memref<100000x1024xf32, #tpu.memory_space<hbm>> -> memref<16x1024xf32, #tpu.memory_space<hbm>>
      tpu.wait_dma2 semaphore(%arg8 : memref<!tpu.dma_semaphore, #tpu.memory_space<semaphore_mem>>) src(%dma_wait3A_166 : memref<16x1024xf32, #tpu.memory_space<hbm>>) dst(%dma_wait3A_163 : memref<16x1024xf32, #tpu.memory_space<vmem>>)
      %mul3A_167 = arith.constant 16 : i32
      %mul3A_168 = arith.muli %add3A_151, %mul3A_167 : i32
      %add3A_169 = arith.addi %mul3A_2, %mul3A_168 : i32
      %dma_start3A_170 = arith.constant 1 : i32
      %dma_start3A_171 = arith.constant 0 : i32
      %dma_start3A_172 = arith.constant 0 : i32
      %dma_start3A_173 = tpu.memref_slice %arg6[%dma_start3A_170, %dma_start3A_171, %dma_start3A_172] : memref<4x16x1024xf32, #tpu.memory_space<vmem>> -> memref<1x16x1024xf32, #tpu.memory_space<vmem>>
      %dma_start3A_174 = tpu.memref_squeeze %dma_start3A_173 : memref<1x16x1024xf32, #tpu.memory_space<vmem>> -> memref<16x1024xf32, #tpu.memory_space<vmem>>
      %dma_start3A_175 = arith.constant 0 : i32
      %dma_start3A_176 = tpu.memref_slice %arg4[%add3A_169, %dma_start3A_175] : memref<16384x1024xf32, #tpu.memory_space<hbm>> -> memref<16x1024xf32, #tpu.memory_space<hbm>>
      %dma_start3A_177 = arith.constant 0 : i32
      %dma_start3A_178 = tpu.memref_slice %arg4[%add3A_169, %dma_start3A_177] : memref<16384x1024xf32, #tpu.memory_space<hbm>> -> memref<16x1024xf32, #tpu.memory_space<hbm>>
      %dma_start3A_179 = arith.constant 0 : i32
      %dma_start3A_180 = arith.constant 0 : i32
      %dma_start3A_181 = tpu.memref_slice %arg6[%dma_start3A_170, %dma_start3A_179, %dma_start3A_180] : memref<4x16x1024xf32, #tpu.memory_space<vmem>> -> memref<1x16x1024xf32, #tpu.memory_space<vmem>>
      %dma_start3A_182 = tpu.memref_squeeze %dma_start3A_181 : memref<1x16x1024xf32, #tpu.memory_space<vmem>> -> memref<16x1024xf32, #tpu.memory_space<vmem>>
      tpu.enqueue_dma source(%dma_start3A_182 : memref<16x1024xf32, #tpu.memory_space<vmem>>) target(%dma_start3A_178 : memref<16x1024xf32, #tpu.memory_space<hbm>>) target_semaphore(%arg12 : memref<!tpu.dma_semaphore, #tpu.memory_space<semaphore_mem>>)
      %add3A_183 = arith.constant 4 : i32
      %add3A_184 = arith.addi %add3A_151, %add3A_183 : i32
      %lt3A_185 = arith.constant 32 : i32
      %lt3A_186 = arith.cmpi slt, %add3A_184, %lt3A_185 : i32
      %convert_element_type3A_187 = arith.extui %lt3A_186 : i1 to i32
      %cond3A_188 = arith.constant 0 : i32
      %cond3A_189 = arith.cmpi ne, %convert_element_type3A_187, %cond3A_188 : i32
      scf.if %cond3A_189 {
        %dma_wait3A_275 = arith.constant 1 : i32
        %dma_wait3A_276 = arith.constant 0 : i32
        %dma_wait3A_277 = arith.constant 0 : i32
        %dma_wait3A_278 = tpu.memref_slice %arg6[%dma_wait3A_275, %dma_wait3A_276, %dma_wait3A_277] : memref<4x16x1024xf32, #tpu.memory_space<vmem>> -> memref<1x16x1024xf32, #tpu.memory_space<vmem>>
        %dma_wait3A_279 = tpu.memref_squeeze %dma_wait3A_278 : memref<1x16x1024xf32, #tpu.memory_space<vmem>> -> memref<16x1024xf32, #tpu.memory_space<vmem>>
        %dma_wait3A_280 = arith.constant 0 : i32
        %dma_wait3A_281 = arith.constant 0 : i32
        %dma_wait3A_282 = tpu.memref_slice %arg4[%dma_wait3A_280, %dma_wait3A_281] : memref<16384x1024xf32, #tpu.memory_space<hbm>> -> memref<16x1024xf32, #tpu.memory_space<hbm>>
        %dma_wait3A_283 = arith.constant 0 : i32
        %dma_wait3A_284 = arith.constant 0 : i32
        %dma_wait3A_285 = tpu.memref_slice %arg4[%dma_wait3A_283, %dma_wait3A_284] : memref<16384x1024xf32, #tpu.memory_space<hbm>> -> memref<16x1024xf32, #tpu.memory_space<hbm>>
        %dma_wait3A_286 = arith.constant 0 : i32
        %dma_wait3A_287 = arith.constant 0 : i32
        %dma_wait3A_288 = tpu.memref_slice %arg6[%dma_wait3A_275, %dma_wait3A_286, %dma_wait3A_287] : memref<4x16x1024xf32, #tpu.memory_space<vmem>> -> memref<1x16x1024xf32, #tpu.memory_space<vmem>>
        %dma_wait3A_289 = tpu.memref_squeeze %dma_wait3A_288 : memref<1x16x1024xf32, #tpu.memory_space<vmem>> -> memref<16x1024xf32, #tpu.memory_space<vmem>>
        tpu.wait_dma2 semaphore(%arg12 : memref<!tpu.dma_semaphore, #tpu.memory_space<semaphore_mem>>) src(%dma_wait3A_289 : memref<16x1024xf32, #tpu.memory_space<vmem>>) dst(%dma_wait3A_285 : memref<16x1024xf32, #tpu.memory_space<hbm>>)
        %add3A_290 = arith.constant 4 : i32
        %add3A_291 = arith.addi %add3A_151, %add3A_290 : i32
        %mul3A_292 = arith.constant 16 : i32
        %mul3A_293 = arith.muli %add3A_291, %mul3A_292 : i32
        %dma_start3A_294 = arith.constant 1 : i32
        %dma_start3A_295 = arith.constant 0 : i32
        %dma_start3A_296 = arith.constant 0 : i32
        %dma_start3A_297 = tpu.memref_slice %arg6[%dma_start3A_294, %dma_start3A_295, %dma_start3A_296] : memref<4x16x1024xf32, #tpu.memory_space<vmem>> -> memref<1x16x1024xf32, #tpu.memory_space<vmem>>
        %dma_start3A_298 = tpu.memref_squeeze %dma_start3A_297 : memref<1x16x1024xf32, #tpu.memory_space<vmem>> -> memref<16x1024xf32, #tpu.memory_space<vmem>>
        %dma_start3A_299 = tpu.memref_slice %arg5[%mul3A_293] : memref<512xi32, #tpu.memory_space<vmem>> -> memref<16xi32, #tpu.memory_space<vmem>>
        %dma_start3A_300 = arith.constant 0 : i32
        %dma_start3A_301 = arith.constant 0 : i32
        %dma_start3A_302 = tpu.memref_slice %arg3[%dma_start3A_300, %dma_start3A_301] : memref<100000x1024xf32, #tpu.memory_space<hbm>> -> memref<100000x1024xf32, #tpu.memory_space<hbm>>
        tpu.enqueue_indirect_dma source(%dma_start3A_302 : memref<100000x1024xf32, #tpu.memory_space<hbm>>) target(%dma_start3A_298 : memref<16x1024xf32, #tpu.memory_space<vmem>>) offsets(%dma_start3A_299 : memref<16xi32, #tpu.memory_space<vmem>>) semaphore(%arg8 : memref<!tpu.dma_semaphore, #tpu.memory_space<semaphore_mem>>)
      } else {
      }
      %mul3A_190 = arith.constant 4 : i32
      %mul3A_191 = arith.muli %mul3A_190, %scan3A_107 : i32
      %add3A_192 = arith.constant 2 : i32
      %add3A_193 = arith.addi %mul3A_191, %add3A_192 : i32
      %dma_wait3A_194 = arith.constant 2 : i32
      %dma_wait3A_195 = arith.constant 0 : i32
      %dma_wait3A_196 = arith.constant 0 : i32
      %dma_wait3A_197 = tpu.memref_slice %arg6[%dma_wait3A_194, %dma_wait3A_195, %dma_wait3A_196] : memref<4x16x1024xf32, #tpu.memory_space<vmem>> -> memref<1x16x1024xf32, #tpu.memory_space<vmem>>
      %dma_wait3A_198 = tpu.memref_squeeze %dma_wait3A_197 : memref<1x16x1024xf32, #tpu.memory_space<vmem>> -> memref<16x1024xf32, #tpu.memory_space<vmem>>
      %dma_wait3A_199 = arith.constant 0 : i32
      %dma_wait3A_200 = arith.constant 0 : i32
      %dma_wait3A_201 = tpu.memref_slice %arg3[%dma_wait3A_199, %dma_wait3A_200] : memref<100000x1024xf32, #tpu.memory_space<hbm>> -> memref<16x1024xf32, #tpu.memory_space<hbm>>
      %dma_wait3A_202 = arith.constant 0 : i32
      %dma_wait3A_203 = arith.constant 0 : i32
      %dma_wait3A_204 = tpu.memref_slice %arg6[%dma_wait3A_194, %dma_wait3A_202, %dma_wait3A_203] : memref<4x16x1024xf32, #tpu.memory_space<vmem>> -> memref<1x16x1024xf32, #tpu.memory_space<vmem>>
      %dma_wait3A_205 = tpu.memref_squeeze %dma_wait3A_204 : memref<1x16x1024xf32, #tpu.memory_space<vmem>> -> memref<16x1024xf32, #tpu.memory_space<vmem>>
      %dma_wait3A_206 = arith.constant 0 : i32
      %dma_wait3A_207 = arith.constant 0 : i32
      %dma_wait3A_208 = tpu.memref_slice %arg3[%dma_wait3A_206, %dma_wait3A_207] : memref<100000x1024xf32, #tpu.memory_space<hbm>> -> memref<16x1024xf32, #tpu.memory_space<hbm>>
      tpu.wait_dma2 semaphore(%arg9 : memref<!tpu.dma_semaphore, #tpu.memory_space<semaphore_mem>>) src(%dma_wait3A_208 : memref<16x1024xf32, #tpu.memory_space<hbm>>) dst(%dma_wait3A_205 : memref<16x1024xf32, #tpu.memory_space<vmem>>)
      %mul3A_209 = arith.constant 16 : i32
      %mul3A_210 = arith.muli %add3A_193, %mul3A_209 : i32
      %add3A_211 = arith.addi %mul3A_2, %mul3A_210 : i32
      %dma_start3A_212 = arith.constant 2 : i32
      %dma_start3A_213 = arith.constant 0 : i32
      %dma_start3A_214 = arith.constant 0 : i32
      %dma_start3A_215 = tpu.memref_slice %arg6[%dma_start3A_212, %dma_start3A_213, %dma_start3A_214] : memref<4x16x1024xf32, #tpu.memory_space<vmem>> -> memref<1x16x1024xf32, #tpu.memory_space<vmem>>
      %dma_start3A_216 = tpu.memref_squeeze %dma_start3A_215 : memref<1x16x1024xf32, #tpu.memory_space<vmem>> -> memref<16x1024xf32, #tpu.memory_space<vmem>>
      %dma_start3A_217 = arith.constant 0 : i32
      %dma_start3A_218 = tpu.memref_slice %arg4[%add3A_211, %dma_start3A_217] : memref<16384x1024xf32, #tpu.memory_space<hbm>> -> memref<16x1024xf32, #tpu.memory_space<hbm>>
      %dma_start3A_219 = arith.constant 0 : i32
      %dma_start3A_220 = tpu.memref_slice %arg4[%add3A_211, %dma_start3A_219] : memref<16384x1024xf32, #tpu.memory_space<hbm>> -> memref<16x1024xf32, #tpu.memory_space<hbm>>
      %dma_start3A_221 = arith.constant 0 : i32
      %dma_start3A_222 = arith.constant 0 : i32
      %dma_start3A_223 = tpu.memref_slice %arg6[%dma_start3A_212, %dma_start3A_221, %dma_start3A_222] : memref<4x16x1024xf32, #tpu.memory_space<vmem>> -> memref<1x16x1024xf32, #tpu.memory_space<vmem>>
      %dma_start3A_224 = tpu.memref_squeeze %dma_start3A_223 : memref<1x16x1024xf32, #tpu.memory_space<vmem>> -> memref<16x1024xf32, #tpu.memory_space<vmem>>
      tpu.enqueue_dma source(%dma_start3A_224 : memref<16x1024xf32, #tpu.memory_space<vmem>>) target(%dma_start3A_220 : memref<16x1024xf32, #tpu.memory_space<hbm>>) target_semaphore(%arg13 : memref<!tpu.dma_semaphore, #tpu.memory_space<semaphore_mem>>)
      %add3A_225 = arith.constant 4 : i32
      %add3A_226 = arith.addi %add3A_193, %add3A_225 : i32
      %lt3A_227 = arith.constant 32 : i32
      %lt3A_228 = arith.cmpi slt, %add3A_226, %lt3A_227 : i32
      %convert_element_type3A_229 = arith.extui %lt3A_228 : i1 to i32
      %cond3A_230 = arith.constant 0 : i32
      %cond3A_231 = arith.cmpi ne, %convert_element_type3A_229, %cond3A_230 : i32
      scf.if %cond3A_231 {
        %dma_wait3A_275 = arith.constant 2 : i32
        %dma_wait3A_276 = arith.constant 0 : i32
        %dma_wait3A_277 = arith.constant 0 : i32
        %dma_wait3A_278 = tpu.memref_slice %arg6[%dma_wait3A_275, %dma_wait3A_276, %dma_wait3A_277] : memref<4x16x1024xf32, #tpu.memory_space<vmem>> -> memref<1x16x1024xf32, #tpu.memory_space<vmem>>
        %dma_wait3A_279 = tpu.memref_squeeze %dma_wait3A_278 : memref<1x16x1024xf32, #tpu.memory_space<vmem>> -> memref<16x1024xf32, #tpu.memory_space<vmem>>
        %dma_wait3A_280 = arith.constant 0 : i32
        %dma_wait3A_281 = arith.constant 0 : i32
        %dma_wait3A_282 = tpu.memref_slice %arg4[%dma_wait3A_280, %dma_wait3A_281] : memref<16384x1024xf32, #tpu.memory_space<hbm>> -> memref<16x1024xf32, #tpu.memory_space<hbm>>
        %dma_wait3A_283 = arith.constant 0 : i32
        %dma_wait3A_284 = arith.constant 0 : i32
        %dma_wait3A_285 = tpu.memref_slice %arg4[%dma_wait3A_283, %dma_wait3A_284] : memref<16384x1024xf32, #tpu.memory_space<hbm>> -> memref<16x1024xf32, #tpu.memory_space<hbm>>
        %dma_wait3A_286 = arith.constant 0 : i32
        %dma_wait3A_287 = arith.constant 0 : i32
        %dma_wait3A_288 = tpu.memref_slice %arg6[%dma_wait3A_275, %dma_wait3A_286, %dma_wait3A_287] : memref<4x16x1024xf32, #tpu.memory_space<vmem>> -> memref<1x16x1024xf32, #tpu.memory_space<vmem>>
        %dma_wait3A_289 = tpu.memref_squeeze %dma_wait3A_288 : memref<1x16x1024xf32, #tpu.memory_space<vmem>> -> memref<16x1024xf32, #tpu.memory_space<vmem>>
        tpu.wait_dma2 semaphore(%arg13 : memref<!tpu.dma_semaphore, #tpu.memory_space<semaphore_mem>>) src(%dma_wait3A_289 : memref<16x1024xf32, #tpu.memory_space<vmem>>) dst(%dma_wait3A_285 : memref<16x1024xf32, #tpu.memory_space<hbm>>)
        %add3A_290 = arith.constant 4 : i32
        %add3A_291 = arith.addi %add3A_193, %add3A_290 : i32
        %mul3A_292 = arith.constant 16 : i32
        %mul3A_293 = arith.muli %add3A_291, %mul3A_292 : i32
        %dma_start3A_294 = arith.constant 2 : i32
        %dma_start3A_295 = arith.constant 0 : i32
        %dma_start3A_296 = arith.constant 0 : i32
        %dma_start3A_297 = tpu.memref_slice %arg6[%dma_start3A_294, %dma_start3A_295, %dma_start3A_296] : memref<4x16x1024xf32, #tpu.memory_space<vmem>> -> memref<1x16x1024xf32, #tpu.memory_space<vmem>>
        %dma_start3A_298 = tpu.memref_squeeze %dma_start3A_297 : memref<1x16x1024xf32, #tpu.memory_space<vmem>> -> memref<16x1024xf32, #tpu.memory_space<vmem>>
        %dma_start3A_299 = tpu.memref_slice %arg5[%mul3A_293] : memref<512xi32, #tpu.memory_space<vmem>> -> memref<16xi32, #tpu.memory_space<vmem>>
        %dma_start3A_300 = arith.constant 0 : i32
        %dma_start3A_301 = arith.constant 0 : i32
        %dma_start3A_302 = tpu.memref_slice %arg3[%dma_start3A_300, %dma_start3A_301] : memref<100000x1024xf32, #tpu.memory_space<hbm>> -> memref<100000x1024xf32, #tpu.memory_space<hbm>>
        tpu.enqueue_indirect_dma source(%dma_start3A_302 : memref<100000x1024xf32, #tpu.memory_space<hbm>>) target(%dma_start3A_298 : memref<16x1024xf32, #tpu.memory_space<vmem>>) offsets(%dma_start3A_299 : memref<16xi32, #tpu.memory_space<vmem>>) semaphore(%arg9 : memref<!tpu.dma_semaphore, #tpu.memory_space<semaphore_mem>>)
      } else {
      }
      %mul3A_232 = arith.constant 4 : i32
      %mul3A_233 = arith.muli %mul3A_232, %scan3A_107 : i32
      %add3A_234 = arith.constant 3 : i32
      %add3A_235 = arith.addi %mul3A_233, %add3A_234 : i32
      %dma_wait3A_236 = arith.constant 3 : i32
      %dma_wait3A_237 = arith.constant 0 : i32
      %dma_wait3A_238 = arith.constant 0 : i32
      %dma_wait3A_239 = tpu.memref_slice %arg6[%dma_wait3A_236, %dma_wait3A_237, %dma_wait3A_238] : memref<4x16x1024xf32, #tpu.memory_space<vmem>> -> memref<1x16x1024xf32, #tpu.memory_space<vmem>>
      %dma_wait3A_240 = tpu.memref_squeeze %dma_wait3A_239 : memref<1x16x1024xf32, #tpu.memory_space<vmem>> -> memref<16x1024xf32, #tpu.memory_space<vmem>>
      %dma_wait3A_241 = arith.constant 0 : i32
      %dma_wait3A_242 = arith.constant 0 : i32
      %dma_wait3A_243 = tpu.memref_slice %arg3[%dma_wait3A_241, %dma_wait3A_242] : memref<100000x1024xf32, #tpu.memory_space<hbm>> -> memref<16x1024xf32, #tpu.memory_space<hbm>>
      %dma_wait3A_244 = arith.constant 0 : i32
      %dma_wait3A_245 = arith.constant 0 : i32
      %dma_wait3A_246 = tpu.memref_slice %arg6[%dma_wait3A_236, %dma_wait3A_244, %dma_wait3A_245] : memref<4x16x1024xf32, #tpu.memory_space<vmem>> -> memref<1x16x1024xf32, #tpu.memory_space<vmem>>
      %dma_wait3A_247 = tpu.memref_squeeze %dma_wait3A_246 : memref<1x16x1024xf32, #tpu.memory_space<vmem>> -> memref<16x1024xf32, #tpu.memory_space<vmem>>
      %dma_wait3A_248 = arith.constant 0 : i32
      %dma_wait3A_249 = arith.constant 0 : i32
      %dma_wait3A_250 = tpu.memref_slice %arg3[%dma_wait3A_248, %dma_wait3A_249] : memref<100000x1024xf32, #tpu.memory_space<hbm>> -> memref<16x1024xf32, #tpu.memory_space<hbm>>
      tpu.wait_dma2 semaphore(%arg10 : memref<!tpu.dma_semaphore, #tpu.memory_space<semaphore_mem>>) src(%dma_wait3A_250 : memref<16x1024xf32, #tpu.memory_space<hbm>>) dst(%dma_wait3A_247 : memref<16x1024xf32, #tpu.memory_space<vmem>>)
      %mul3A_251 = arith.constant 16 : i32
      %mul3A_252 = arith.muli %add3A_235, %mul3A_251 : i32
      %add3A_253 = arith.addi %mul3A_2, %mul3A_252 : i32
      %dma_start3A_254 = arith.constant 3 : i32
      %dma_start3A_255 = arith.constant 0 : i32
      %dma_start3A_256 = arith.constant 0 : i32
      %dma_start3A_257 = tpu.memref_slice %arg6[%dma_start3A_254, %dma_start3A_255, %dma_start3A_256] : memref<4x16x1024xf32, #tpu.memory_space<vmem>> -> memref<1x16x1024xf32, #tpu.memory_space<vmem>>
      %dma_start3A_258 = tpu.memref_squeeze %dma_start3A_257 : memref<1x16x1024xf32, #tpu.memory_space<vmem>> -> memref<16x1024xf32, #tpu.memory_space<vmem>>
      %dma_start3A_259 = arith.constant 0 : i32
      %dma_start3A_260 = tpu.memref_slice %arg4[%add3A_253, %dma_start3A_259] : memref<16384x1024xf32, #tpu.memory_space<hbm>> -> memref<16x1024xf32, #tpu.memory_space<hbm>>
      %dma_start3A_261 = arith.constant 0 : i32
      %dma_start3A_262 = tpu.memref_slice %arg4[%add3A_253, %dma_start3A_261] : memref<16384x1024xf32, #tpu.memory_space<hbm>> -> memref<16x1024xf32, #tpu.memory_space<hbm>>
      %dma_start3A_263 = arith.constant 0 : i32
      %dma_start3A_264 = arith.constant 0 : i32
      %dma_start3A_265 = tpu.memref_slice %arg6[%dma_start3A_254, %dma_start3A_263, %dma_start3A_264] : memref<4x16x1024xf32, #tpu.memory_space<vmem>> -> memref<1x16x1024xf32, #tpu.memory_space<vmem>>
      %dma_start3A_266 = tpu.memref_squeeze %dma_start3A_265 : memref<1x16x1024xf32, #tpu.memory_space<vmem>> -> memref<16x1024xf32, #tpu.memory_space<vmem>>
      tpu.enqueue_dma source(%dma_start3A_266 : memref<16x1024xf32, #tpu.memory_space<vmem>>) target(%dma_start3A_262 : memref<16x1024xf32, #tpu.memory_space<hbm>>) target_semaphore(%arg14 : memref<!tpu.dma_semaphore, #tpu.memory_space<semaphore_mem>>)
      %add3A_267 = arith.constant 4 : i32
      %add3A_268 = arith.addi %add3A_235, %add3A_267 : i32
      %lt3A_269 = arith.constant 32 : i32
      %lt3A_270 = arith.cmpi slt, %add3A_268, %lt3A_269 : i32
      %convert_element_type3A_271 = arith.extui %lt3A_270 : i1 to i32
      %cond3A_272 = arith.constant 0 : i32
      %cond3A_273 = arith.cmpi ne, %convert_element_type3A_271, %cond3A_272 : i32
      scf.if %cond3A_273 {
        %dma_wait3A_275 = arith.constant 3 : i32
        %dma_wait3A_276 = arith.constant 0 : i32
        %dma_wait3A_277 = arith.constant 0 : i32
        %dma_wait3A_278 = tpu.memref_slice %arg6[%dma_wait3A_275, %dma_wait3A_276, %dma_wait3A_277] : memref<4x16x1024xf32, #tpu.memory_space<vmem>> -> memref<1x16x1024xf32, #tpu.memory_space<vmem>>
        %dma_wait3A_279 = tpu.memref_squeeze %dma_wait3A_278 : memref<1x16x1024xf32, #tpu.memory_space<vmem>> -> memref<16x1024xf32, #tpu.memory_space<vmem>>
        %dma_wait3A_280 = arith.constant 0 : i32
        %dma_wait3A_281 = arith.constant 0 : i32
        %dma_wait3A_282 = tpu.memref_slice %arg4[%dma_wait3A_280, %dma_wait3A_281] : memref<16384x1024xf32, #tpu.memory_space<hbm>> -> memref<16x1024xf32, #tpu.memory_space<hbm>>
        %dma_wait3A_283 = arith.constant 0 : i32
        %dma_wait3A_284 = arith.constant 0 : i32
        %dma_wait3A_285 = tpu.memref_slice %arg4[%dma_wait3A_283, %dma_wait3A_284] : memref<16384x1024xf32, #tpu.memory_space<hbm>> -> memref<16x1024xf32, #tpu.memory_space<hbm>>
        %dma_wait3A_286 = arith.constant 0 : i32
        %dma_wait3A_287 = arith.constant 0 : i32
        %dma_wait3A_288 = tpu.memref_slice %arg6[%dma_wait3A_275, %dma_wait3A_286, %dma_wait3A_287] : memref<4x16x1024xf32, #tpu.memory_space<vmem>> -> memref<1x16x1024xf32, #tpu.memory_space<vmem>>
        %dma_wait3A_289 = tpu.memref_squeeze %dma_wait3A_288 : memref<1x16x1024xf32, #tpu.memory_space<vmem>> -> memref<16x1024xf32, #tpu.memory_space<vmem>>
        tpu.wait_dma2 semaphore(%arg14 : memref<!tpu.dma_semaphore, #tpu.memory_space<semaphore_mem>>) src(%dma_wait3A_289 : memref<16x1024xf32, #tpu.memory_space<vmem>>) dst(%dma_wait3A_285 : memref<16x1024xf32, #tpu.memory_space<hbm>>)
        %add3A_290 = arith.constant 4 : i32
        %add3A_291 = arith.addi %add3A_235, %add3A_290 : i32
        %mul3A_292 = arith.constant 16 : i32
        %mul3A_293 = arith.muli %add3A_291, %mul3A_292 : i32
        %dma_start3A_294 = arith.constant 3 : i32
        %dma_start3A_295 = arith.constant 0 : i32
        %dma_start3A_296 = arith.constant 0 : i32
        %dma_start3A_297 = tpu.memref_slice %arg6[%dma_start3A_294, %dma_start3A_295, %dma_start3A_296] : memref<4x16x1024xf32, #tpu.memory_space<vmem>> -> memref<1x16x1024xf32, #tpu.memory_space<vmem>>
        %dma_start3A_298 = tpu.memref_squeeze %dma_start3A_297 : memref<1x16x1024xf32, #tpu.memory_space<vmem>> -> memref<16x1024xf32, #tpu.memory_space<vmem>>
        %dma_start3A_299 = tpu.memref_slice %arg5[%mul3A_293] : memref<512xi32, #tpu.memory_space<vmem>> -> memref<16xi32, #tpu.memory_space<vmem>>
        %dma_start3A_300 = arith.constant 0 : i32
        %dma_start3A_301 = arith.constant 0 : i32
        %dma_start3A_302 = tpu.memref_slice %arg3[%dma_start3A_300, %dma_start3A_301] : memref<100000x1024xf32, #tpu.memory_space<hbm>> -> memref<100000x1024xf32, #tpu.memory_space<hbm>>
        tpu.enqueue_indirect_dma source(%dma_start3A_302 : memref<100000x1024xf32, #tpu.memory_space<hbm>>) target(%dma_start3A_298 : memref<16x1024xf32, #tpu.memory_space<vmem>>) offsets(%dma_start3A_299 : memref<16xi32, #tpu.memory_space<vmem>>) semaphore(%arg10 : memref<!tpu.dma_semaphore, #tpu.memory_space<semaphore_mem>>)
      } else {
      }
      %scan3A_274 = arith.constant 0 : i32
      scf.yield %scan3A_274 : i32
    }
    %scan3A_47 = arith.constant 8 : i32
    %dma_wait3A = arith.constant 0 : i32
    %dma_wait3A_48 = arith.constant 0 : i32
    %dma_wait3A_49 = arith.constant 0 : i32
    %dma_wait3A_50 = tpu.memref_slice %arg6[%dma_wait3A, %dma_wait3A_48, %dma_wait3A_49] : memref<4x16x1024xf32, #tpu.memory_space<vmem>> -> memref<1x16x1024xf32, #tpu.memory_space<vmem>>
    %dma_wait3A_51 = tpu.memref_squeeze %dma_wait3A_50 : memref<1x16x1024xf32, #tpu.memory_space<vmem>> -> memref<16x1024xf32, #tpu.memory_space<vmem>>
    %dma_wait3A_52 = arith.constant 0 : i32
    %dma_wait3A_53 = arith.constant 0 : i32
    %dma_wait3A_54 = tpu.memref_slice %arg4[%dma_wait3A_52, %dma_wait3A_53] : memref<16384x1024xf32, #tpu.memory_space<hbm>> -> memref<16x1024xf32, #tpu.memory_space<hbm>>
    %dma_wait3A_55 = arith.constant 0 : i32
    %dma_wait3A_56 = arith.constant 0 : i32
    %dma_wait3A_57 = tpu.memref_slice %arg4[%dma_wait3A_55, %dma_wait3A_56] : memref<16384x1024xf32, #tpu.memory_space<hbm>> -> memref<16x1024xf32, #tpu.memory_space<hbm>>
    %dma_wait3A_58 = arith.constant 0 : i32
    %dma_wait3A_59 = arith.constant 0 : i32
    %dma_wait3A_60 = tpu.memref_slice %arg6[%dma_wait3A, %dma_wait3A_58, %dma_wait3A_59] : memref<4x16x1024xf32, #tpu.memory_space<vmem>> -> memref<1x16x1024xf32, #tpu.memory_space<vmem>>
    %dma_wait3A_61 = tpu.memref_squeeze %dma_wait3A_60 : memref<1x16x1024xf32, #tpu.memory_space<vmem>> -> memref<16x1024xf32, #tpu.memory_space<vmem>>
    tpu.wait_dma2 semaphore(%arg11 : memref<!tpu.dma_semaphore, #tpu.memory_space<semaphore_mem>>) src(%dma_wait3A_61 : memref<16x1024xf32, #tpu.memory_space<vmem>>) dst(%dma_wait3A_57 : memref<16x1024xf32, #tpu.memory_space<hbm>>)
    %dma_wait3A_62 = arith.constant 1 : i32
    %dma_wait3A_63 = arith.constant 0 : i32
    %dma_wait3A_64 = arith.constant 0 : i32
    %dma_wait3A_65 = tpu.memref_slice %arg6[%dma_wait3A_62, %dma_wait3A_63, %dma_wait3A_64] : memref<4x16x1024xf32, #tpu.memory_space<vmem>> -> memref<1x16x1024xf32, #tpu.memory_space<vmem>>
    %dma_wait3A_66 = tpu.memref_squeeze %dma_wait3A_65 : memref<1x16x1024xf32, #tpu.memory_space<vmem>> -> memref<16x1024xf32, #tpu.memory_space<vmem>>
    %dma_wait3A_67 = arith.constant 0 : i32
    %dma_wait3A_68 = arith.constant 0 : i32
    %dma_wait3A_69 = tpu.memref_slice %arg4[%dma_wait3A_67, %dma_wait3A_68] : memref<16384x1024xf32, #tpu.memory_space<hbm>> -> memref<16x1024xf32, #tpu.memory_space<hbm>>
    %dma_wait3A_70 = arith.constant 0 : i32
    %dma_wait3A_71 = arith.constant 0 : i32
    %dma_wait3A_72 = tpu.memref_slice %arg4[%dma_wait3A_70, %dma_wait3A_71] : memref<16384x1024xf32, #tpu.memory_space<hbm>> -> memref<16x1024xf32, #tpu.memory_space<hbm>>
    %dma_wait3A_73 = arith.constant 0 : i32
    %dma_wait3A_74 = arith.constant 0 : i32
    %dma_wait3A_75 = tpu.memref_slice %arg6[%dma_wait3A_62, %dma_wait3A_73, %dma_wait3A_74] : memref<4x16x1024xf32, #tpu.memory_space<vmem>> -> memref<1x16x1024xf32, #tpu.memory_space<vmem>>
    %dma_wait3A_76 = tpu.memref_squeeze %dma_wait3A_75 : memref<1x16x1024xf32, #tpu.memory_space<vmem>> -> memref<16x1024xf32, #tpu.memory_space<vmem>>
    tpu.wait_dma2 semaphore(%arg12 : memref<!tpu.dma_semaphore, #tpu.memory_space<semaphore_mem>>) src(%dma_wait3A_76 : memref<16x1024xf32, #tpu.memory_space<vmem>>) dst(%dma_wait3A_72 : memref<16x1024xf32, #tpu.memory_space<hbm>>)
    %dma_wait3A_77 = arith.constant 2 : i32
    %dma_wait3A_78 = arith.constant 0 : i32
    %dma_wait3A_79 = arith.constant 0 : i32
    %dma_wait3A_80 = tpu.memref_slice %arg6[%dma_wait3A_77, %dma_wait3A_78, %dma_wait3A_79] : memref<4x16x1024xf32, #tpu.memory_space<vmem>> -> memref<1x16x1024xf32, #tpu.memory_space<vmem>>
    %dma_wait3A_81 = tpu.memref_squeeze %dma_wait3A_80 : memref<1x16x1024xf32, #tpu.memory_space<vmem>> -> memref<16x1024xf32, #tpu.memory_space<vmem>>
    %dma_wait3A_82 = arith.constant 0 : i32
    %dma_wait3A_83 = arith.constant 0 : i32
    %dma_wait3A_84 = tpu.memref_slice %arg4[%dma_wait3A_82, %dma_wait3A_83] : memref<16384x1024xf32, #tpu.memory_space<hbm>> -> memref<16x1024xf32, #tpu.memory_space<hbm>>
    %dma_wait3A_85 = arith.constant 0 : i32
    %dma_wait3A_86 = arith.constant 0 : i32
    %dma_wait3A_87 = tpu.memref_slice %arg4[%dma_wait3A_85, %dma_wait3A_86] : memref<16384x1024xf32, #tpu.memory_space<hbm>> -> memref<16x1024xf32, #tpu.memory_space<hbm>>
    %dma_wait3A_88 = arith.constant 0 : i32
    %dma_wait3A_89 = arith.constant 0 : i32
    %dma_wait3A_90 = tpu.memref_slice %arg6[%dma_wait3A_77, %dma_wait3A_88, %dma_wait3A_89] : memref<4x16x1024xf32, #tpu.memory_space<vmem>> -> memref<1x16x1024xf32, #tpu.memory_space<vmem>>
    %dma_wait3A_91 = tpu.memref_squeeze %dma_wait3A_90 : memref<1x16x1024xf32, #tpu.memory_space<vmem>> -> memref<16x1024xf32, #tpu.memory_space<vmem>>
    tpu.wait_dma2 semaphore(%arg13 : memref<!tpu.dma_semaphore, #tpu.memory_space<semaphore_mem>>) src(%dma_wait3A_91 : memref<16x1024xf32, #tpu.memory_space<vmem>>) dst(%dma_wait3A_87 : memref<16x1024xf32, #tpu.memory_space<hbm>>)
    %dma_wait3A_92 = arith.constant 3 : i32
    %dma_wait3A_93 = arith.constant 0 : i32
    %dma_wait3A_94 = arith.constant 0 : i32
    %dma_wait3A_95 = tpu.memref_slice %arg6[%dma_wait3A_92, %dma_wait3A_93, %dma_wait3A_94] : memref<4x16x1024xf32, #tpu.memory_space<vmem>> -> memref<1x16x1024xf32, #tpu.memory_space<vmem>>
    %dma_wait3A_96 = tpu.memref_squeeze %dma_wait3A_95 : memref<1x16x1024xf32, #tpu.memory_space<vmem>> -> memref<16x1024xf32, #tpu.memory_space<vmem>>
    %dma_wait3A_97 = arith.constant 0 : i32
    %dma_wait3A_98 = arith.constant 0 : i32
    %dma_wait3A_99 = tpu.memref_slice %arg4[%dma_wait3A_97, %dma_wait3A_98] : memref<16384x1024xf32, #tpu.memory_space<hbm>> -> memref<16x1024xf32, #tpu.memory_space<hbm>>
    %dma_wait3A_100 = arith.constant 0 : i32
    %dma_wait3A_101 = arith.constant 0 : i32
    %dma_wait3A_102 = tpu.memref_slice %arg4[%dma_wait3A_100, %dma_wait3A_101] : memref<16384x1024xf32, #tpu.memory_space<hbm>> -> memref<16x1024xf32, #tpu.memory_space<hbm>>
    %dma_wait3A_103 = arith.constant 0 : i32
    %dma_wait3A_104 = arith.constant 0 : i32
    %dma_wait3A_105 = tpu.memref_slice %arg6[%dma_wait3A_92, %dma_wait3A_103, %dma_wait3A_104] : memref<4x16x1024xf32, #tpu.memory_space<vmem>> -> memref<1x16x1024xf32, #tpu.memory_space<vmem>>
    %dma_wait3A_106 = tpu.memref_squeeze %dma_wait3A_105 : memref<1x16x1024xf32, #tpu.memory_space<vmem>> -> memref<16x1024xf32, #tpu.memory_space<vmem>>
    tpu.wait_dma2 semaphore(%arg14 : memref<!tpu.dma_semaphore, #tpu.memory_space<semaphore_mem>>) src(%dma_wait3A_106 : memref<16x1024xf32, #tpu.memory_space<vmem>>) dst(%dma_wait3A_102 : memref<16x1024xf32, #tpu.memory_space<hbm>>)
    return
  }
}

module attributes {stable_mosaic.version = 14 : i64} {
  func.func @_ln_body(%arg0: i32, %arg1: i32, %arg2: memref<256x1024xf32, #tpu.memory_space<vmem>>, %arg3: memref<256x1024xf32, #tpu.memory_space<vmem>>, %arg4: memref<1x1024xf32, #tpu.memory_space<vmem>>, %arg5: memref<1x1024xf32, #tpu.memory_space<vmem>>, %arg6: memref<256x1024xf32, #tpu.memory_space<vmem>>) attributes {dimension_semantics = [#tpu.dimension_semantics<arbitrary>, #tpu.dimension_semantics<arbitrary>], iteration_bounds = array<i64: 16, 4>, scalar_prefetch = 0 : i64, scratch_operands = 0 : i64, tpu.core_type = #tpu.core_type<tc>, window_params = [{transform_indices = @transform_0, window_bounds = array<i64: 256, 1024>}, {transform_indices = @transform_1, window_bounds = array<i64: 256, 1024>}, {pipeline_mode = #tpu.pipeline_mode<synchronous>, transform_indices = @transform_2, window_bounds = array<i64: 1, 1024>}, {pipeline_mode = #tpu.pipeline_mode<synchronous>, transform_indices = @transform_3, window_bounds = array<i64: 1, 1024>}, {transform_indices = @transform_4, window_bounds = array<i64: 256, 1024>}]} {
    %get3A = arith.constant 0 : index
    %get3A_0 = arith.constant 0 : index
    %get3A_1 = vector.load %arg2[%get3A, %get3A_0] : memref<256x1024xf32, #tpu.memory_space<vmem>>, vector<256x1024xf32>
    %get3A_2 = arith.constant 0 : index
    %get3A_3 = arith.constant 0 : index
    %get3A_4 = vector.load %arg3[%get3A_2, %get3A_3] : memref<256x1024xf32, #tpu.memory_space<vmem>>, vector<256x1024xf32>
    %add3A = arith.addf %get3A_1, %get3A_4 : vector<256x1024xf32>
    %reduce_sum3A = arith.constant dense<0.000000e+00> : vector<256xf32>
    %reduce_sum3A_5 = vector.multi_reduction <add>, %add3A, %reduce_sum3A [1] : vector<256x1024xf32> to vector<256xf32>
    %broadcast_in_dim3A = vector.shape_cast %reduce_sum3A_5 : vector<256xf32> to vector<256x1xf32>
    %div3A = arith.constant 1.024000e+03 : f32
    %div3A_6 = vector.broadcast %div3A : f32 to vector<256x1xf32>
    %div3A_7 = arith.divf %broadcast_in_dim3A, %div3A_6 : vector<256x1xf32>
    %mul3A = arith.mulf %add3A, %add3A : vector<256x1024xf32>
    %reduce_sum3A_8 = arith.constant dense<0.000000e+00> : vector<256xf32>
    %reduce_sum3A_9 = vector.multi_reduction <add>, %mul3A, %reduce_sum3A_8 [1] : vector<256x1024xf32> to vector<256xf32>
    %broadcast_in_dim3A_10 = vector.shape_cast %reduce_sum3A_9 : vector<256xf32> to vector<256x1xf32>
    %div3A_11 = arith.constant 1.024000e+03 : f32
    %div3A_12 = vector.broadcast %div3A_11 : f32 to vector<256x1xf32>
    %div3A_13 = arith.divf %broadcast_in_dim3A_10, %div3A_12 : vector<256x1xf32>
    %mul3A_14 = arith.mulf %div3A_7, %div3A_7 : vector<256x1xf32>
    %sub3A = arith.subf %div3A_13, %mul3A_14 : vector<256x1xf32>
    %add3A_15 = arith.constant 9.99999974E-6 : f32
    %add3A_16 = vector.broadcast %add3A_15 : f32 to vector<256x1xf32>
    %add3A_17 = arith.addf %sub3A, %add3A_16 : vector<256x1xf32>
    %rsqrt3A = math.rsqrt %add3A_17 : vector<256x1xf32>
    %sub3A_18 = vector.broadcast %div3A_7 : vector<256x1xf32> to vector<256x1024xf32>
    %sub3A_19 = arith.subf %add3A, %sub3A_18 : vector<256x1024xf32>
    %mul3A_20 = vector.broadcast %rsqrt3A : vector<256x1xf32> to vector<256x1024xf32>
    %mul3A_21 = arith.mulf %sub3A_19, %mul3A_20 : vector<256x1024xf32>
    %get3A_22 = arith.constant 0 : index
    %get3A_23 = arith.constant 0 : index
    %get3A_24 = vector.load %arg4[%get3A_22, %get3A_23] : memref<1x1024xf32, #tpu.memory_space<vmem>>, vector<1x1024xf32>
    %mul3A_25 = vector.broadcast %get3A_24 : vector<1x1024xf32> to vector<256x1024xf32>
    %mul3A_26 = arith.mulf %mul3A_21, %mul3A_25 : vector<256x1024xf32>
    %get3A_27 = arith.constant 0 : index
    %get3A_28 = arith.constant 0 : index
    %get3A_29 = vector.load %arg5[%get3A_27, %get3A_28] : memref<1x1024xf32, #tpu.memory_space<vmem>>, vector<1x1024xf32>
    %add3A_30 = vector.broadcast %get3A_29 : vector<1x1024xf32> to vector<256x1024xf32>
    %add3A_31 = arith.addf %mul3A_26, %add3A_30 : vector<256x1024xf32>
    %swap3A = arith.constant 0 : index
    %swap3A_32 = arith.constant 0 : index
    %swap3A_33 = vector.load %arg6[%swap3A, %swap3A_32] : memref<256x1024xf32, #tpu.memory_space<vmem>>, vector<256x1024xf32>
    tpu.vector_store %arg6[%swap3A, %swap3A_32], %add3A_31 {strides = array<i32>} : memref<256x1024xf32, #tpu.memory_space<vmem>>, vector<256x1024xf32>,
    return
  }
  func.func @transform_0(%arg0: i32, %arg1: i32) -> (i32, i32) {
    %mul3A = arith.constant 16 : i32
    %mul3A_0 = arith.muli %arg1, %mul3A : i32
    %add3A = arith.addi %mul3A_0, %arg0 : i32
    %c0_i32 = arith.constant 0 : i32
    %c0_i32_1 = arith.constant 0 : i32
    return %add3A, %c0_i32 : i32, i32
  }
  func.func @transform_1(%arg0: i32, %arg1: i32) -> (i32, i32) {
    %c0_i32 = arith.constant 0 : i32
    %c0_i32_0 = arith.constant 0 : i32
    return %arg0, %c0_i32 : i32, i32
  }
  func.func @transform_2(%arg0: i32, %arg1: i32) -> (i32, i32) {
    %c0_i32 = arith.constant 0 : i32
    %c0_i32_0 = arith.constant 0 : i32
    %c0_i32_1 = arith.constant 0 : i32
    return %c0_i32, %c0_i32_0 : i32, i32
  }
  func.func @transform_3(%arg0: i32, %arg1: i32) -> (i32, i32) {
    %c0_i32 = arith.constant 0 : i32
    %c0_i32_0 = arith.constant 0 : i32
    %c0_i32_1 = arith.constant 0 : i32
    return %c0_i32, %c0_i32_0 : i32, i32
  }
  func.func @transform_4(%arg0: i32, %arg1: i32) -> (i32, i32) {
    %mul3A = arith.constant 16 : i32
    %mul3A_0 = arith.muli %arg1, %mul3A : i32
    %add3A = arith.addi %mul3A_0, %arg0 : i32
    %c0_i32 = arith.constant 0 : i32
    %c0_i32_1 = arith.constant 0 : i32
    return %add3A, %c0_i32 : i32, i32
  }
}

</mosaic_0001>

<sc_bundles>
// kernel: kernel.4.cloned.1.call-start
scs
__scs_entry_jumppad:
0x0: {  	(pc) =	sbr.rel $0x88, $3  }
0x1: {  	(tag) =	ssettag $0x0;
	lr =	simm.s32 $0x1  }
0x2: {  	[smem:$0x3F9C] =	sst lr;
	_ =	strace $0xD0000000  }
0x3: {  	_ = 	snop  }
0x4: {  	_ = 	snop  }
0x5: {  	_ = 	snop  }
0x6: {  	_ = 	snop  }
0x7: {  	_ = 	snop  }
__scs_overlays_trampoline_lowered:
0x8: {  	[smem:$0x3FAB] =	sst s0  }
0x9: {  	[smem:$0x3FAC] =	sst s1  }
0xa: {  	[smem:$0x3FAD] =	sst s2  }
0xb: {  	[smem:$0x3FAE] =	sst s3  }
0xc: {  	[smem:$0x3FAF] =	sst s4  }
0xd: {  	[smem:$0x3FB0] =	sst s5  }
0xe: {  	[smem:$0x3FB1] =	sst s6  }
0xf: {  	[smem:$0x3FB2] =	sst s7  }
0x10: {  	[smem:$0x3FB3] =	sst s8  }
0x11: {  	[smem:$0x3FB4] =	sst s9;
	s0 =	simm.s32 @!p0 $0x0  }
0x12: {  	s1 =	sld [smem:$0x3F9A];
	s0 =	simm.s32 @p0 $0x1  }
0x13: {  	[smem:$0x3FB5] =	sst s0;
	s0 =	simm.s32 @!p1 $0x0  }
0x14: {  	s2 =	sld [smem:$0x3F99];
	s0 =	simm.s32 @p1 $0x1  }
0x15: {  	[smem:$0x3FB6] =	sst s0;
	s0 =	simm.s32 @!p2 $0x0  }
0x16: {  	s3 =	sld [smem:$0x3FDB];
	s0 =	simm.s32 @p2 $0x1  }
0x17: {  	s4 =	simm.s32 $0x1BF5;
	[smem:$0x3FB8] =	sst s0  }
0x18: {  	s0 =	sld [smem:$0x3F9B];
	_ =	swait.ge [sflag:s4], $0x0  }
0x19: {  	s7 =	sld [smem:$0x3F9C]  }
0x1a: {  	s8 =	sadd.s32 $0xFFFFE003, lr  }
0x1b: {  	s9 =	sadd.s32 $0xFFFFFEF7, lr;
	s5 =	simm.s32 $0xFFFFFFFF;
	p2 =	slt.u32 s8, $0xFFFFF086  }
0x1c: {  	p1 =	slt.u32 s9, $0xF7A;
	s5 =	simm.s32 @!p2 $0x0  }
0x1d: {  	s5 =	simm.s32 @p1 $0x1;
	p0 =	seq.s32 s7, s2  }
0x1e: {  	s7 =	smul.u32 @!p0 $0xF7A, s2;
	p2 =	seq.s32 @!p0 s5, $0x0  }
0x1f: {  	s9 =	smul.u32 $0xF7A, s1;
	s8 =	simm.s32 @!p0 $0x1BF5;
	p2 =	por !p2, p0  }
0x20: {  	[sflag:s8] =	ssyncset.s32 @!p0 $0xFFFFF086;
	s6 =	sadd.s32 @!p0 s3, s7;
	s7 =	simm.s32 @!p0 $0x108  }
0x21: {  	s3 =	sadd.s32 s3, s9;
	s6 =	sadd.s32 @!p0 $0x88, s6;
	s7 =	simm.s32 @p2 $0x1082  }
0x22: {  	[simem:s7], [sflag:s8] =	dma.local @!p0 [hbm:s6], $0xF7A  }
0x23: {  	s9 =	sor.u32 $0xD0000000, s2;
	s6 =	simm.s32 $0x108;
	_ =	swait.ge @!p0 [sflag:s8], $0x0  }
0x24: {  	s3 =	sadd.s32 $0x88, s3;
	s6 =	simm.s32 @!p1 $0x1082;
	[sflag:s4] =	ssyncset.s32 $0xFFFFF086  }
0x25: {  	[simem:s6], [sflag:s4] =	dma.local [hbm:s3], $0xF7A  }
0x26: {  	[smem:$0x3F9C] =	sst s1;
	(tag) =	ssettag s2;
	_ =	strace s9  }
0x27: {  	s1 =	sld [smem:$0x3FAC]  }
0x28: {  	s2 =	sld [smem:$0x3FAD]  }
0x29: {  	s4 =	sld [smem:$0x3FAF]  }
0x2a: {  	p0 =	seq.s32 s5, $0x0;
	s5 =	sld [smem:$0x3FB0]  }
0x2b: {  	s6 =	sld [smem:$0x3FB1]  }
0x2c: {  	s7 =	sld [smem:$0x3FB2]  }
0x2d: {  	s3 =	simm.s32 $0x108;
	s8 =	sld [smem:$0x3FB3]  }
0x2e: {  	s3 =	simm.s32 @!p0 $0x1082;
	s9 =	sld [smem:$0x3FB4]  }
0x2f: {  	lr =	sadd.s32 s0, s3;
	s0 =	sld [smem:$0x3FAB]  }
0x30: {  	s3 =	sld [smem:$0x3FAE]  }
0x31: {  	[smem:$0x3FB7] =	sst s10  }
0x32: {  	s10 =	sld [smem:$0x3FB5];
	_ =	sdelay $0x3  }
0x33: {  	p0 =	seq.s32 s10, $0x1;
	s10 =	sld [smem:$0x3FB7];
	_ =	sdelay $0x3  }
0x34: {  	[smem:$0x3FB7] =	sst s10  }
0x35: {  	s10 =	sld [smem:$0x3FB6];
	_ =	sdelay $0x3  }
0x36: {  	p1 =	seq.s32 s10, $0x1;
	s10 =	sld [smem:$0x3FB7];
	_ =	sdelay $0x3  }
0x37: {  	[smem:$0x3FB7] =	sst s10  }
0x38: {  	s10 =	sld [smem:$0x3FB8]  }
0x39: {  	_ = 	snop;
	(pc) =	sbr.ind lr, $3  }
0x3a: {  	_ = 	snop  }
0x3b: {  	_ = 	snop  }
0x3c: {  	p2 =	seq.s32 s10, $0x1;
	s10 =	sld [smem:$0x3FB7]  }
0x3d: {  	_ =	shalt  }
0x3e: {  	_ =	shalt  }
0x3f: {  	_ =	shalt  }
0x40: {  	_ =	shalt  }
0x41: {  	_ =	shalt  }
0x42: {  	_ =	shalt  }
0x43: {  	_ =	shalt  }
0x44: {  	_ =	shalt  }
0x45: {  	_ =	shalt  }
0x46: {  	_ =	shalt  }
0x47: {  	_ =	shalt  }
0x48: {  	_ =	shalt  }
0x49: {  	_ =	shalt  }
0x4a: {  	_ =	shalt  }
0x4b: {  	_ =	shalt  }
0x4c: {  	_ =	shalt  }
0x4d: {  	_ =	shalt  }
0x4e: {  	_ =	shalt  }
0x4f: {  	_ =	shalt  }
0x50: {  	_ =	shalt  }
0x51: {  	_ =	shalt  }
0x52: {  	_ =	shalt  }
0x53: {  	_ =	shalt  }
0x54: {  	_ =	shalt  }
0x55: {  	_ =	shalt  }
0x56: {  	_ =	shalt  }
0x57: {  	_ =	shalt  }
0x58: {  	_ =	shalt  }
0x59: {  	_ =	shalt  }
0x5a: {  	_ =	shalt  }
0x5b: {  	_ =	shalt  }
0x5c: {  	_ =	shalt  }
0x5d: {  	_ =	shalt  }
0x5e: {  	_ =	shalt  }
0x5f: {  	_ =	shalt  }
0x60: {  	_ =	shalt  }
0x61: {  	_ =	shalt  }
0x62: {  	_ =	shalt  }
0x63: {  	_ =	shalt  }
0x64: {  	_ =	shalt  }
0x65: {  	_ =	shalt  }
0x66: {  	_ =	shalt  }
0x67: {  	_ =	shalt  }
0x68: {  	_ =	shalt  }
0x69: {  	_ =	shalt  }
0x6a: {  	_ =	shalt  }
0x6b: {  	_ =	shalt  }
0x6c: {  	_ =	shalt  }
0x6d: {  	_ =	shalt  }
0x6e: {  	_ =	shalt  }
0x6f: {  	_ =	shalt  }
0x70: {  	_ =	shalt  }
0x71: {  	_ =	shalt  }
0x72: {  	_ =	shalt  }
0x73: {  	_ =	shalt  }
0x74: {  	_ =	shalt  }
0x75: {  	_ =	shalt  }
0x76: {  	_ =	shalt  }
0x77: {  	_ =	shalt  }
0x78: {  	_ =	shalt  }
0x79: {  	_ =	shalt  }
0x7a: {  	_ =	shalt  }
0x7b: {  	_ =	shalt  }
0x7c: {  	_ =	shalt  }
0x7d: {  	_ =	shalt  }
0x7e: {  	_ =	shalt  }
0x7f: {  	_ =	shalt  }
0x80: {  	_ =	shalt  }
0x81: {  	_ =	shalt  }
0x82: {  	_ =	shalt  }
0x83: {  	_ =	shalt  }
0x84: {  	_ =	shalt  }
0x85: {  	_ =	shalt  }
0x86: {  	_ =	shalt  }
0x87: {  	_ =	shalt  }
.Lfunc_end0:
.L_simem_size_0:
called_computation_lowered:
.L_overlay_start_0:
0x88: {  	s2 =	sld [smem:$0x3FD9]  }
0x89: {  	s3 =	sld [smem:$0x3FFE];
	_ =	sdelay $0x1  }
0x8a: {  	s1 =	srdreg.scid  }
0x8b: {  	s0 =	sand.u32 $0x1, s1  }
0x8c: {  	s17 =	sshll.u32 s0, $0xA;
	s2 =	sadd.s32 s3, s2  }
0x8d: {  	s2 =	sadd.s32 s2, s17  }
0x8e: {  	[smem:$0x3FC3] =	sst s2  }
0x8f: {  	_ = 	snop  }
0x90: {  	s2 =	sld [smem:$0x3FC8]  }
0x91: {  	s18 =	sld [smem:$0x3FD0];
	(tm) =	ssettm $0x1  }
0x92: {  	s4 =	sld [smem:$0x3FFB];
	_ =	sdelay $0x3  }
0x93: {  	_ =	strace s4  }
0x94: {  	s4 =	sld [smem:$0x3FFC];
	_ =	sdelay $0x3  }
0x95: {  	_ =	strace s4  }
0x96: {  	s4 =	sld [smem:$0x3FFD];
	_ =	sdelay $0x3  }
0x97: {  	_ =	strace s4  }
0x98: {  	_ =	strace $0x8FFFFFFF  }
0x99: {  	s19 =	sld [smem:$0x3FDB];
	_ =	sdelay $0x1  }
0x9a: {  	s5 =	simm.s32 $_scs_section_size  }
0x9b: {  	s6 =	simm.s32 $_size__tile_overlayer_lowered;
	s7 =	simm.s32 $_tile_overlayer_lowered  }
0x9c: {  	s22 =	simm.s32 $0x1BFF;
	s21 =	sshll.u32 s7, $0x1;
	s4 =	sadd.s32 s5, s19  }
0x9d: {  	s8 =	simm.s32 $0x0;
	s20 =	sshll.u32 s6, $0x1;
	s6 =	sadd.s32 s21, s4  }
0x9e: {  	[timem:s8], [sflag:s22] =	dma.local [hbm:s6], s20  }
0x9f: {  	_ =	swait.ge [sflag:s22], s20  }
0xa0: {  	s5 =	ssub.s32 $0x0, s20;
	[sflag:s22] =	ssyncset.done $0x0  }
0xa1: {  	[sflag:s22] =	ssyncadd.s32 s5;
	_ =	sdelay $0x1  }
0xa2: {  	s23 =	simm.s32 $0x1B8B  }
0xa3: {  	_ =	swait.ge [sflag:s23], $0x1  }
0xa4: {  	[sflag:s23] =	ssyncset.done $0x0  }
0xa5: {  	s25 =	simm.s32 $0x1B8E;
	s24 =	sld [smem:$0x3FFE];
	[sflag:s23] =	ssyncadd.s32 $0xFFFFFFFF  }
0xa6: {  	s26 =	simm.s32 $execute0_lowered;
	[smem:$0x3FD2] =	sst s25  }
0xa7: {  	s6 =	sshll.u32 s26, $0x1;
	_ =	strace $0x80000046;
	[dreg:$0x1] =	wrdreg $0xFFFFFFFF  }
0xa8: {  	s28 =	simm.s32 $_size_execute0_lowered;
	s4 =	sadd.s32 s4, s6;
	[dreg:$0x0] =	wrdreg $0x0  }
0xa9: {  	s6 =	sshll.u32 s28, $0x1;
	[dreg:$0x2] =	wrdreg s4  }
0xaa: {  	[dreg:$0x3] =	wrdreg s6  }
0xab: {  	[dreg:$0x4] =	wrdreg $0xC0  }
0xac: {  	_ =	task [dreg:s8], $0x5FFFF  }
0xad: {  	[dreg:$0x1] =	wrdreg $0xFFFFFFFF  }
0xae: {  	[dreg:$0x0] =	wrdreg $0x60  }
0xaf: {  	[dreg:$0x2] =	wrdreg s18  }
0xb0: {  	[dreg:$0x3] =	wrdreg s2  }
0xb1: {  	[dreg:$0x4] =	wrdreg s24  }
0xb2: {  	[dreg:$0x5] =	wrdreg $0x9  }
0xb3: {  	_ =	task.clear_ibuf [dreg:s8], $0x6FFFF;
	_ =	strace $0x90000046  }
0xb4: {  	s29 =	simm.s32 $0x9;
	_ =	strace $0x80000048  }
0xb5: {  	_ =	swait.ge [sflag:s29], $0x1  }
0xb6: {  	[sflag:s29] =	ssyncadd.s32 $0xFFFFFFFF  }
0xb7: {  	_ =	strace $0x90000048  }
0xb8: {  	_ =	sfence  }
0xb9: {  	s30 =	sld [smem:$0x0];
	_ =	sdelay $0x2  }
0xba: {  	s31 =	sshll.u32 s1, $0xD;
	s1 =	sshrl.u32 s1, $0x2  }
0xbb: {  	s3 =	sand.u32 $0x4000, s31;
	s1 =	sadd.s32 s1, s30  }
0xbc: {  	s0 =	sor.u32 s3, s0;
	s1 =	sshll.u32 s1, $0x11  }
0xbd: {  	s0 =	sor.u32 s1, s0  }
0xbe: {  	s0 =	sadd.s32 $0x8F2B, s0  }
0xbf: {  	[sflag:s0] =	ssyncadd.remote.s32 $0x1  }
0xc0: {  	_ =	sfence.sel $0xFFFF  }
0xc1: {  	[dreg:$0x0] =	wrdreg $0xFFFFFFFF;
	(pc) =	sbr.abs _section_cstart, $3  }
0xc2: {  	[dreg:$0x1] =	wrdreg $0xFFFFFFFF  }
0xc3: {  	_ =	task.clear_ibuf [dreg:s8], $0x2FFFF;
	_ =	strace $0x9FFFFFFF  }
0xc4: {  	(tm) =	ssettm $0x7FFFFFFF  }
0xc5: {  	_ =	shalt  }
tec
execute0_lowered:
.L_overlay_start_1:
0x0: {  	(tag) =	ssettag $0x1  }
0x1: {  	s0 =	rddreg [dreg:$0x0]  }
0x2: {  	s1 =	rddreg [dreg:$0x1]  }
0x3: {  	s2 =	rddreg [dreg:$0x2];
	s3 =	simm.s32 $0x0  }
0x4: {  	s4 =	srdreg.scid;
	s7 =	stileid.u32;
	s11 =	simm.s32 $0x200  }
0x5: {  	s19 =	simm.s32 $0x4200;
	s28 =	simm.s32 $0x8200;
	s14 =	simm.s32 $0xC200  }
0x6: {  	s15 =	simm.s32 $0xCA00;
	s16 =	simm.s32 $0xD200;
	s17 =	simm.s32 $0xDA00  }
0x7: {  	s18 =	simm.s32 $0xE200;
	s20 =	simm.s32 $0xEA00;
	s21 =	simm.s32 $0xF200  }
0x8: {  	s22 =	simm.s32 $0xFA00;
	s23 =	simm.s32 $0x1;
	s29 =	simm.s32 $0x5  }
0x9: {  	s30 =	simm.s32 $0x6;
	s31 =	simm.s32 $0x7;
	[smem:$0x7FF] =	sst s3  }
0xa: {  	s4 =	sand.u32 $0x1, s4;
	s5 =	sshll.u32 s7, $0xA;
	s7 =	sshll.u32 s7, $0x11  }
0xb: {  	_ =	strace $0x80000047;
	s6 =	sshll.u32 s4, $0x9;
	s8 =	ssub.s32 $0x2, s4  }
0xc: {  	s2 =	sadd.s32 s7, s2;
	s25 =	sshll.u32 s4, $0x10;
	s7 =	sadd.s32 $0x300, s1  }
0xd: {  	s5 =	sor.u32 s6, s5;
	s24 =	sshrl.u32 s8, $0x1;
	s6 =	sadd.s32 $0x200, s1  }
.Ltmp0:
0xe: {  	s5 =	sshrl.u32 s5, $0x3;
	s8 =	ssub.s32 s8, s24;
	(pc) =	sbr.rel .LBB2_1-.Ltmp0, $4  }
0xf: {  	s24 =	simm.s32 $0x2;
	s0 =	sadd.s32 s0, s5;
	s5 =	sadd.s32 $0x100, s1  }
0x10: {  	v2 =	vlaneseq.u32;
	s26 =	smax.u32 s8, $0x1;
	[dreg:$0x4] =	wrdreg s0;
	s0 =	sadd.s32 s25, s2  }
0x11: {  	vm0 =	vmmov $0xffff;
	v1 =	vshrl.u32 v2, $0x3;
	[dreg:$0x5] =	wrdreg s26;
	s25 =	simm.s32 $0x3;
	s26 =	simm.s32 $0x4  }
0x12: {  	v0 =	vand.u32 $0x7, v2;
	v2 =	vor.u32 $0x8, v2;
	v1 =	vmul.u32 $0x8, v1;
	s2 =	simm.s32 $0x0;
	s9 =	sadd.s32 $0x800, s0;
	s0 =	simm.s32 $0x8  }
.LBB2_4:
0x13: {  	_ =	swait.ge [sflag:s29], $0x4000  }
0x14: {  	[sflag:s29] =	ssyncset.done $0x0  }
0x15: {  	[sflag:s29] =	ssyncadd.s32 $0xFFFFC000  }
0x16: {  	_ =	swait.ge [sflag:s30], $0x4000  }
0x17: {  	[sflag:s30] =	ssyncset.done $0x0  }
0x18: {  	[sflag:s30] =	ssyncadd.s32 $0xFFFFC000  }
0x19: {  	_ =	swait.ge [sflag:s31], $0x4000  }
0x1a: {  	[sflag:s31] =	ssyncset.done $0x0  }
0x1b: {  	[sflag:s31] =	ssyncadd.s32 $0xFFFFC000  }
0x1c: {  	_ =	swait.ge [sflag:s0], $0x4000  }
0x1d: {  	s2 =	sadd.s32 $0x1, s2;
	s4 =	rddreg [dreg:$0x5]  }
0x1e: {  	p0 =	sne.s32 s2, s4  }
.Ltmp1:
0x1f: {  	_ = 	snop;
	(pc) =	sbr.rel @!p0 .LBB2_5-.Ltmp1, $3  }
0x20: {  	_ =	sdelay $0x1  }
0x21: {  	[sflag:s0] =	ssyncset.done $0x0  }
0x22: {  	[sflag:s0] =	ssyncadd.s32 $0xFFFFC000  }
.LBB2_1:
0x23: {  	s4 =	rddreg [dreg:$0x4];
	s12 =	simm.s32 $0x9  }
0x24: {  	[tilespmem:s3], [sflag:$0x9] =	stream.linear.gather [hbm4b:s4+s3], $0x200, $0x38;
	[tilespmem:$0x10200] =	vst v63  }
0x25: {  	_ =	swait.ge [sflag:s12], $0x200  }
0x26: {  	[sflag:s12] =	ssyncset.done $0x0  }
0x27: {  	[sflag:s12] =	ssyncadd.s32 $0xFFFFFE00  }
0x28: {  	v3 =	vld [tilespmem:$0x0];
	_ =	sdelay $0x4  }
0x29: {  	v4 =	vshll.u32 v3, $0x3  }
0x2a: {  	v3 =	vand.u32 $0x7, v3;
	v4 =	vand.u32 $0xFFFFFFC0, v4  }
0x2b: {  	v3 =	vor.u32 v3, v4  }
0x2c: {  	v4 =	vperm.xlane v3, v0;
	_ =	sdelay $0x1  }
0x2d: {  	v4 =	vadd.s32 v1, v4;
	_ =	sdelay $0x4  }
0x2e: {  	[tilespmem:s11], [sflag:$0x1] =	stream.indirect_vreg.gather [hbm4b:s1+s3], $0x80, v4, vm0, $0xb8;
	[tilespmem:$0x10200] =	vst v63  }
0x2f: {  	s13 =	simm.s32 $0xA00;
	v3 =	vperm.xlane v3, v2  }
0x30: {  	[tilespmem:s13], [sflag:$0x1] =	stream.indirect_vreg.gather [hbm4b:s5+s3], $0x80, v4, vm0, $0xb8;
	[tilespmem:$0x10200] =	vst v63  }
0x31: {  	s8 =	simm.s32 $0x1200;
	v3 =	vadd.s32 v1, v3  }
0x32: {  	[tilespmem:s8], [sflag:$0x1] =	stream.indirect_vreg.gather [hbm4b:s6+s3], $0x80, v4, vm0, $0xb8;
	[tilespmem:$0x10200] =	vst v63  }
0x33: {  	s10 =	simm.s32 $0x1A00  }
0x34: {  	[tilespmem:s10], [sflag:$0x1] =	stream.indirect_vreg.gather [hbm4b:s7+s3], $0x80, v4, vm0, $0xb8;
	[tilespmem:$0x10200] =	vst v63  }
0x35: {  	s12 =	simm.s32 $0x2200  }
0x36: {  	[tilespmem:s12], [sflag:$0x1] =	stream.indirect_vreg.gather [hbm4b:s1+s3], $0x80, v3, vm0, $0xb8;
	[tilespmem:$0x10200] =	vst v63  }
0x37: {  	s13 =	simm.s32 $0x2A00  }
0x38: {  	[tilespmem:s13], [sflag:$0x1] =	stream.indirect_vreg.gather [hbm4b:s5+s3], $0x80, v3, vm0, $0xb8;
	[tilespmem:$0x10200] =	vst v63  }
0x39: {  	s8 =	simm.s32 $0x3200  }
0x3a: {  	[tilespmem:s8], [sflag:$0x1] =	stream.indirect_vreg.gather [hbm4b:s6+s3], $0x80, v3, vm0, $0xb8;
	[tilespmem:$0x10200] =	vst v63  }
0x3b: {  	s10 =	simm.s32 $0x3A00  }
0x3c: {  	[tilespmem:s10], [sflag:$0x1] =	stream.indirect_vreg.gather [hbm4b:s7+s3], $0x80, v3, vm0, $0xb8;
	[tilespmem:$0x10200] =	vst v63  }
0x3d: {  	v3 =	vld [tilespmem:$0x10];
	_ =	sdelay $0x4  }
0x3e: {  	v61 =	vshll.u32 v3, $0x3  }
0x3f: {  	v3 =	vand.u32 $0x7, v3;
	v4 =	vand.u32 $0xFFFFFFC0, v61  }
0x40: {  	v3 =	vor.u32 v3, v4  }
0x41: {  	v4 =	vperm.xlane v3, v0;
	_ =	sdelay $0x1  }
0x42: {  	v4 =	vadd.s32 v1, v4;
	_ =	sdelay $0x4  }
0x43: {  	[tilespmem:s19], [sflag:$0x2] =	stream.indirect_vreg.gather [hbm4b:s1+s3], $0x80, v4, vm0, $0xb8;
	[tilespmem:$0x10200] =	vst v63  }
0x44: {  	s12 =	simm.s32 $0x4A00;
	v3 =	vperm.xlane v3, v2  }
0x45: {  	[tilespmem:s12], [sflag:$0x2] =	stream.indirect_vreg.gather [hbm4b:s5+s3], $0x80, v4, vm0, $0xb8;
	[tilespmem:$0x10200] =	vst v63  }
0x46: {  	s13 =	simm.s32 $0x5200;
	v3 =	vadd.s32 v1, v3  }
0x47: {  	[tilespmem:s13], [sflag:$0x2] =	stream.indirect_vreg.gather [hbm4b:s6+s3], $0x80, v4, vm0, $0xb8;
	[tilespmem:$0x10200] =	vst v63  }
0x48: {  	s8 =	simm.s32 $0x5A00  }
0x49: {  	[tilespmem:s8], [sflag:$0x2] =	stream.indirect_vreg.gather [hbm4b:s7+s3], $0x80, v4, vm0, $0xb8;
	[tilespmem:$0x10200] =	vst v63  }
0x4a: {  	s10 =	simm.s32 $0x6200  }
0x4b: {  	[tilespmem:s10], [sflag:$0x2] =	stream.indirect_vreg.gather [hbm4b:s1+s3], $0x80, v3, vm0, $0xb8;
	[tilespmem:$0x10200] =	vst v63  }
0x4c: {  	s12 =	simm.s32 $0x6A00  }
0x4d: {  	[tilespmem:s12], [sflag:$0x2] =	stream.indirect_vreg.gather [hbm4b:s5+s3], $0x80, v3, vm0, $0xb8;
	[tilespmem:$0x10200] =	vst v63  }
0x4e: {  	s13 =	simm.s32 $0x7200  }
0x4f: {  	[tilespmem:s13], [sflag:$0x2] =	stream.indirect_vreg.gather [hbm4b:s6+s3], $0x80, v3, vm0, $0xb8;
	[tilespmem:$0x10200] =	vst v63  }
0x50: {  	s8 =	simm.s32 $0x7A00  }
0x51: {  	[tilespmem:s8], [sflag:$0x2] =	stream.indirect_vreg.gather [hbm4b:s7+s3], $0x80, v3, vm0, $0xb8;
	[tilespmem:$0x10200] =	vst v63  }
0x52: {  	v3 =	vld [tilespmem:$0x20];
	_ =	sdelay $0x4  }
0x53: {  	v62 =	vshll.u32 v3, $0x3  }
0x54: {  	v3 =	vand.u32 $0x7, v3;
	v4 =	vand.u32 $0xFFFFFFC0, v62  }
0x55: {  	v3 =	vor.u32 v3, v4  }
0x56: {  	v4 =	vperm.xlane v3, v0;
	_ =	sdelay $0x1  }
0x57: {  	v4 =	vadd.s32 v1, v4;
	_ =	sdelay $0x4  }
0x58: {  	[tilespmem:s28], [sflag:$0x3] =	stream.indirect_vreg.gather [hbm4b:s1+s3], $0x80, v4, vm0, $0xb8;
	[tilespmem:$0x10200] =	vst v63  }
0x59: {  	s10 =	simm.s32 $0x8A00;
	v3 =	vperm.xlane v3, v2  }
0x5a: {  	[tilespmem:s10], [sflag:$0x3] =	stream.indirect_vreg.gather [hbm4b:s5+s3], $0x80, v4, vm0, $0xb8;
	[tilespmem:$0x10200] =	vst v63  }
0x5b: {  	s12 =	simm.s32 $0x9200;
	v3 =	vadd.s32 v1, v3  }
0x5c: {  	[tilespmem:s12], [sflag:$0x3] =	stream.indirect_vreg.gather [hbm4b:s6+s3], $0x80, v4, vm0, $0xb8;
	[tilespmem:$0x10200] =	vst v63  }
0x5d: {  	s13 =	simm.s32 $0x9A00  }
0x5e: {  	[tilespmem:s13], [sflag:$0x3] =	stream.indirect_vreg.gather [hbm4b:s7+s3], $0x80, v4, vm0, $0xb8;
	[tilespmem:$0x10200] =	vst v63  }
0x5f: {  	s8 =	simm.s32 $0xA200  }
0x60: {  	[tilespmem:s8], [sflag:$0x3] =	stream.indirect_vreg.gather [hbm4b:s1+s3], $0x80, v3, vm0, $0xb8;
	[tilespmem:$0x10200] =	vst v63  }
0x61: {  	s10 =	simm.s32 $0xAA00  }
0x62: {  	[tilespmem:s10], [sflag:$0x3] =	stream.indirect_vreg.gather [hbm4b:s5+s3], $0x80, v3, vm0, $0xb8;
	[tilespmem:$0x10200] =	vst v63  }
0x63: {  	s12 =	simm.s32 $0xB200  }
0x64: {  	[tilespmem:s12], [sflag:$0x3] =	stream.indirect_vreg.gather [hbm4b:s6+s3], $0x80, v3, vm0, $0xb8;
	[tilespmem:$0x10200] =	vst v63  }
0x65: {  	s13 =	simm.s32 $0xBA00  }
0x66: {  	[tilespmem:s13], [sflag:$0x3] =	stream.indirect_vreg.gather [hbm4b:s7+s3], $0x80, v3, vm0, $0xb8;
	[tilespmem:$0x10200] =	vst v63  }
0x67: {  	v3 =	vld [tilespmem:$0x30];
	_ =	sdelay $0x4  }
0x68: {  	v63 =	vshll.u32 v3, $0x3  }
0x69: {  	v3 =	vand.u32 $0x7, v3;
	v4 =	vand.u32 $0xFFFFFFC0, v63  }
0x6a: {  	v3 =	vor.u32 v3, v4  }
0x6b: {  	v4 =	vperm.xlane v3, v0;
	_ =	sdelay $0x1  }
0x6c: {  	v4 =	vadd.s32 v1, v4;
	_ =	sdelay $0x4  }
0x6d: {  	[tilespmem:s14], [sflag:$0x4] =	stream.indirect_vreg.gather [hbm4b:s1+s3], $0x80, v4, vm0, $0xb8;
	[tilespmem:$0x10200] =	vst v63  }
0x6e: {  	v3 =	vperm.xlane v3, v2  }
0x6f: {  	[tilespmem:s15], [sflag:$0x4] =	stream.indirect_vreg.gather [hbm4b:s5+s3], $0x80, v4, vm0, $0xb8;
	[tilespmem:$0x10200] =	vst v63  }
0x70: {  	v3 =	vadd.s32 v1, v3  }
0x71: {  	[tilespmem:s16], [sflag:$0x4] =	stream.indirect_vreg.gather [hbm4b:s6+s3], $0x80, v4, vm0, $0xb8;
	[tilespmem:$0x10200] =	vst v63  }
0x72: {  	_ = 	snop  }
0x73: {  	[tilespmem:s17], [sflag:$0x4] =	stream.indirect_vreg.gather [hbm4b:s7+s3], $0x80, v4, vm0, $0xb8;
	[tilespmem:$0x10200] =	vst v63  }
0x74: {  	_ = 	snop  }
0x75: {  	[tilespmem:s18], [sflag:$0x4] =	stream.indirect_vreg.gather [hbm4b:s1+s3], $0x80, v3, vm0, $0xb8;
	[tilespmem:$0x10200] =	vst v63  }
0x76: {  	_ = 	snop  }
0x77: {  	[tilespmem:s20], [sflag:$0x4] =	stream.indirect_vreg.gather [hbm4b:s5+s3], $0x80, v3, vm0, $0xb8;
	[tilespmem:$0x10200] =	vst v63  }
0x78: {  	_ = 	snop  }
0x79: {  	[tilespmem:s21], [sflag:$0x4] =	stream.indirect_vreg.gather [hbm4b:s6+s3], $0x80, v3, vm0, $0xb8;
	[tilespmem:$0x10200] =	vst v63  }
0x7a: {  	s12 =	simm.s32 $0x70;
	s13 =	simm.s32 $0x0  }
0x7b: {  	[tilespmem:s22], [sflag:$0x4] =	stream.indirect_vreg.gather [hbm4b:s7+s3], $0x80, v3, vm0, $0xb8;
	[tilespmem:$0x10200] =	vst v63  }
.LBB2_2:
0x7c: {  	_ =	swait.ge [sflag:s23], $0x4000  }
0x7d: {  	p0 =	seq.s32 s13, $0xE000;
	[sflag:s23] =	ssyncset.done $0x0  }
0x7e: {  	s4 =	sadd.s32 s13, s9;
	s8 =	simm.s32 @!p0 $0x5;
	[sflag:s23] =	ssyncadd.s32 $0xFFFFC000  }
0x7f: {  	[hbm4b:s4+s3] =	stream.linear.scatter [tilespmem:s11], [sflag:$0x5], $0x4000, $0x38;
	[tilespmem:$0x10200] =	vst v63  }
0x80: {  	_ =	swait.ge @!p0 [sflag:s8], $0x4000  }
0x81: {  	[sflag:s8] =	ssyncset.done @!p0 $0x0  }
0x82: {  	[sflag:s8] =	ssyncadd.s32 @!p0 $0xFFFFC000  }
0x83: {  	v3 =	vld @!p0 [tilespmem:s12+$0xFFFFFFD0];
	_ =	sdelay $0x4  }
0x84: {  	v4 =	vshll.u32 @!p0 v3, $0x3  }
0x85: {  	v5 =	vlaneseq.u32 @!p0;
	v3 =	vand.u32 @!p0 $0x7, v3;
	v4 =	vand.u32 @!p0 $0xFFFFFFC0, v4  }
0x86: {  	v6 =	vshrl.u32 @!p0 v5, $0x3;
	v3 =	vor.u32 @!p0 v3, v4;
	v4 =	vand.u32 @!p0 $0x7, v5  }
0x87: {  	v6 =	vmul.u32 @!p0 $0x8, v6;
	v7 =	vperm.xlane @!p0 v3, v4;
	_ =	sdelay $0x1  }
0x88: {  	v7 =	vadd.s32 @!p0 v6, v7;
	_ =	sdelay $0x3  }
0x89: {  	vm1 =	vmmov @!p0 $0xffff;
	s10 =	simm.s32 @!p0 $0x200;
	s8 =	simm.s32 @!p0 $0x0  }
0x8a: {  	v5 =	vor.u32 @!p0 $0x8, v5;
	[tilespmem:s10], [sflag:$0x1] =	stream.indirect_vreg.gather @!p0 [hbm4b:s1+s8], $0x80, v7, vm1, $0xb8;
	[tilespmem:$0x10200] =	vst v63  }
0x8b: {  	v3 =	vperm.xlane @!p0 v3, v5;
	s10 =	simm.s32 @!p0 $0xA00  }
0x8c: {  	[tilespmem:s10], [sflag:$0x1] =	stream.indirect_vreg.gather @!p0 [hbm4b:s5+s8], $0x80, v7, vm1, $0xb8;
	[tilespmem:$0x10200] =	vst v63  }
0x8d: {  	v3 =	vadd.s32 @!p0 v6, v3;
	s10 =	simm.s32 @!p0 $0x1200  }
0x8e: {  	[tilespmem:s10], [sflag:$0x1] =	stream.indirect_vreg.gather @!p0 [hbm4b:s6+s8], $0x80, v7, vm1, $0xb8;
	[tilespmem:$0x10200] =	vst v63  }
0x8f: {  	s10 =	simm.s32 @!p0 $0x1A00  }
0x90: {  	[tilespmem:s10], [sflag:$0x1] =	stream.indirect_vreg.gather @!p0 [hbm4b:s7+s8], $0x80, v7, vm1, $0xb8;
	[tilespmem:$0x10200] =	vst v63  }
0x91: {  	s10 =	simm.s32 @!p0 $0x2200  }
0x92: {  	[tilespmem:s10], [sflag:$0x1] =	stream.indirect_vreg.gather @!p0 [hbm4b:s1+s8], $0x80, v3, vm1, $0xb8;
	[tilespmem:$0x10200] =	vst v63  }
0x93: {  	s10 =	simm.s32 @!p0 $0x2A00  }
0x94: {  	[tilespmem:s10], [sflag:$0x1] =	stream.indirect_vreg.gather @!p0 [hbm4b:s5+s8], $0x80, v3, vm1, $0xb8;
	[tilespmem:$0x10200] =	vst v63  }
0x95: {  	s10 =	simm.s32 @!p0 $0x3200  }
0x96: {  	[tilespmem:s10], [sflag:$0x1] =	stream.indirect_vreg.gather @!p0 [hbm4b:s6+s8], $0x80, v3, vm1, $0xb8;
	[tilespmem:$0x10200] =	vst v63  }
0x97: {  	s10 =	simm.s32 @!p0 $0x3A00  }
0x98: {  	[tilespmem:s10], [sflag:$0x1] =	stream.indirect_vreg.gather @!p0 [hbm4b:s7+s8], $0x80, v3, vm1, $0xb8;
	[tilespmem:$0x10200] =	vst v63  }
0x99: {  	_ =	swait.ge [sflag:s24], $0x4000  }
0x9a: {  	[sflag:s24] =	ssyncset.done $0x0  }
0x9b: {  	s10 =	sadd.s32 $0x800, s4;
	[sflag:s24] =	ssyncadd.s32 $0xFFFFC000  }
0x9c: {  	[hbm4b:s10+s3] =	stream.linear.scatter [tilespmem:s19], [sflag:$0x6], $0x4000, $0x38;
	[tilespmem:$0x10200] =	vst v63  }
0x9d: {  	s10 =	simm.s32 @!p0 $0x6  }
0x9e: {  	_ =	swait.ge @!p0 [sflag:s10], $0x4000  }
0x9f: {  	[sflag:s10] =	ssyncset.done @!p0 $0x0  }
0xa0: {  	[sflag:s10] =	ssyncadd.s32 @!p0 $0xFFFFC000  }
0xa1: {  	v3 =	vld @!p0 [tilespmem:s12+$0xFFFFFFE0];
	_ =	sdelay $0x4  }
0xa2: {  	v7 =	vshll.u32 @!p0 v3, $0x3  }
0xa3: {  	v3 =	vand.u32 @!p0 $0x7, v3;
	v7 =	vand.u32 @!p0 $0xFFFFFFC0, v7  }
0xa4: {  	v3 =	vor.u32 @!p0 v3, v7  }
0xa5: {  	v7 =	vperm.xlane @!p0 v3, v4;
	_ =	sdelay $0x1  }
0xa6: {  	v7 =	vadd.s32 @!p0 v6, v7;
	_ =	sdelay $0x3  }
0xa7: {  	s10 =	simm.s32 @!p0 $0x4200  }
0xa8: {  	[tilespmem:s10], [sflag:$0x2] =	stream.indirect_vreg.gather @!p0 [hbm4b:s1+s8], $0x80, v7, vm1, $0xb8;
	[tilespmem:$0x10200] =	vst v63  }
0xa9: {  	v3 =	vperm.xlane @!p0 v3, v5;
	s10 =	simm.s32 @!p0 $0x4A00  }
0xaa: {  	[tilespmem:s10], [sflag:$0x2] =	stream.indirect_vreg.gather @!p0 [hbm4b:s5+s8], $0x80, v7, vm1, $0xb8;
	[tilespmem:$0x10200] =	vst v63  }
0xab: {  	v3 =	vadd.s32 @!p0 v6, v3;
	s10 =	simm.s32 @!p0 $0x5200  }
0xac: {  	[tilespmem:s10], [sflag:$0x2] =	stream.indirect_vreg.gather @!p0 [hbm4b:s6+s8], $0x80, v7, vm1, $0xb8;
	[tilespmem:$0x10200] =	vst v63  }
0xad: {  	s10 =	simm.s32 @!p0 $0x5A00  }
0xae: {  	[tilespmem:s10], [sflag:$0x2] =	stream.indirect_vreg.gather @!p0 [hbm4b:s7+s8], $0x80, v7, vm1, $0xb8;
	[tilespmem:$0x10200] =	vst v63  }
0xaf: {  	s10 =	simm.s32 @!p0 $0x6200  }
0xb0: {  	[tilespmem:s10], [sflag:$0x2] =	stream.indirect_vreg.gather @!p0 [hbm4b:s1+s8], $0x80, v3, vm1, $0xb8;
	[tilespmem:$0x10200] =	vst v63  }
0xb1: {  	s10 =	simm.s32 @!p0 $0x6A00  }
0xb2: {  	[tilespmem:s10], [sflag:$0x2] =	stream.indirect_vreg.gather @!p0 [hbm4b:s5+s8], $0x80, v3, vm1, $0xb8;
	[tilespmem:$0x10200] =	vst v63  }
0xb3: {  	s10 =	simm.s32 @!p0 $0x7200  }
0xb4: {  	[tilespmem:s10], [sflag:$0x2] =	stream.indirect_vreg.gather @!p0 [hbm4b:s6+s8], $0x80, v3, vm1, $0xb8;
	[tilespmem:$0x10200] =	vst v63  }
0xb5: {  	s10 =	simm.s32 @!p0 $0x7A00  }
0xb6: {  	[tilespmem:s10], [sflag:$0x2] =	stream.indirect_vreg.gather @!p0 [hbm4b:s7+s8], $0x80, v3, vm1, $0xb8;
	[tilespmem:$0x10200] =	vst v63  }
0xb7: {  	_ =	swait.ge [sflag:s25], $0x4000  }
0xb8: {  	[sflag:s25] =	ssyncset.done $0x0  }
0xb9: {  	s10 =	sadd.s32 $0x1000, s4;
	[sflag:s25] =	ssyncadd.s32 $0xFFFFC000  }
0xba: {  	[hbm4b:s10+s3] =	stream.linear.scatter [tilespmem:s28], [sflag:$0x7], $0x4000, $0x38;
	[tilespmem:$0x10200] =	vst v63  }
0xbb: {  	s10 =	simm.s32 @!p0 $0x7  }
0xbc: {  	_ =	swait.ge @!p0 [sflag:s10], $0x4000  }
0xbd: {  	[sflag:s10] =	ssyncset.done @!p0 $0x0  }
0xbe: {  	[sflag:s10] =	ssyncadd.s32 @!p0 $0xFFFFC000  }
0xbf: {  	v3 =	vld @!p0 [tilespmem:s12+$0xFFFFFFF0];
	_ =	sdelay $0x4  }
0xc0: {  	v7 =	vshll.u32 @!p0 v3, $0x3  }
0xc1: {  	v3 =	vand.u32 @!p0 $0x7, v3;
	v7 =	vand.u32 @!p0 $0xFFFFFFC0, v7  }
0xc2: {  	v3 =	vor.u32 @!p0 v3, v7  }
0xc3: {  	v4 =	vperm.xlane @!p0 v3, v4;
	_ =	sdelay $0x1  }
0xc4: {  	v4 =	vadd.s32 @!p0 v6, v4;
	_ =	sdelay $0x3  }
0xc5: {  	s10 =	simm.s32 @!p0 $0x8200  }
0xc6: {  	[tilespmem:s10], [sflag:$0x3] =	stream.indirect_vreg.gather @!p0 [hbm4b:s1+s8], $0x80, v4, vm1, $0xb8;
	[tilespmem:$0x10200] =	vst v63  }
0xc7: {  	v3 =	vperm.xlane @!p0 v3, v5;
	s10 =	simm.s32 @!p0 $0x8A00  }
0xc8: {  	[tilespmem:s10], [sflag:$0x3] =	stream.indirect_vreg.gather @!p0 [hbm4b:s5+s8], $0x80, v4, vm1, $0xb8;
	[tilespmem:$0x10200] =	vst v63  }
0xc9: {  	v3 =	vadd.s32 @!p0 v6, v3;
	s10 =	simm.s32 @!p0 $0x9200  }
0xca: {  	[tilespmem:s10], [sflag:$0x3] =	stream.indirect_vreg.gather @!p0 [hbm4b:s6+s8], $0x80, v4, vm1, $0xb8;
	[tilespmem:$0x10200] =	vst v63  }
0xcb: {  	s10 =	simm.s32 @!p0 $0x9A00  }
0xcc: {  	[tilespmem:s10], [sflag:$0x3] =	stream.indirect_vreg.gather @!p0 [hbm4b:s7+s8], $0x80, v4, vm1, $0xb8;
	[tilespmem:$0x10200] =	vst v63  }
0xcd: {  	s10 =	simm.s32 @!p0 $0xA200  }
0xce: {  	[tilespmem:s10], [sflag:$0x3] =	stream.indirect_vreg.gather @!p0 [hbm4b:s1+s8], $0x80, v3, vm1, $0xb8;
	[tilespmem:$0x10200] =	vst v63  }
0xcf: {  	s10 =	simm.s32 @!p0 $0xAA00  }
0xd0: {  	[tilespmem:s10], [sflag:$0x3] =	stream.indirect_vreg.gather @!p0 [hbm4b:s5+s8], $0x80, v3, vm1, $0xb8;
	[tilespmem:$0x10200] =	vst v63  }
0xd1: {  	s10 =	simm.s32 @!p0 $0xB200  }
0xd2: {  	[tilespmem:s10], [sflag:$0x3] =	stream.indirect_vreg.gather @!p0 [hbm4b:s6+s8], $0x80, v3, vm1, $0xb8;
	[tilespmem:$0x10200] =	vst v63  }
0xd3: {  	s10 =	simm.s32 @!p0 $0xBA00  }
0xd4: {  	[tilespmem:s10], [sflag:$0x3] =	stream.indirect_vreg.gather @!p0 [hbm4b:s7+s8], $0x80, v3, vm1, $0xb8;
	[tilespmem:$0x10200] =	vst v63  }
.Ltmp2:
0xd5: {  	_ = 	snop;
	(pc) =	sbr.rel @p0 .LBB2_4-.Ltmp2, $4  }
0xd6: {  	_ =	swait.ge [sflag:s26], $0x4000  }
0xd7: {  	[sflag:s26] =	ssyncset.done $0x0  }
0xd8: {  	s4 =	sadd.s32 $0x1800, s4;
	[sflag:s26] =	ssyncadd.s32 $0xFFFFC000  }
0xd9: {  	[hbm4b:s4+s3] =	stream.linear.scatter [tilespmem:s14], [sflag:$0x8], $0x4000, $0x38;
	[tilespmem:$0x10200] =	vst v63  }
0xda: {  	_ =	swait.ge [sflag:s0], $0x4000  }
0xdb: {  	[sflag:s0] =	ssyncset.done $0x0  }
0xdc: {  	[sflag:s0] =	ssyncadd.s32 $0xFFFFC000  }
0xdd: {  	v3 =	vld [tilespmem:s12+$0x0];
	_ =	sdelay $0x4  }
0xde: {  	v4 =	vshll.u32 v3, $0x3  }
0xdf: {  	v3 =	vand.u32 $0x7, v3;
	v4 =	vand.u32 $0xFFFFFFC0, v4  }
0xe0: {  	v3 =	vor.u32 v3, v4  }
0xe1: {  	v4 =	vperm.xlane v3, v0;
	_ =	sdelay $0x1  }
0xe2: {  	v4 =	vadd.s32 v1, v4;
	_ =	sdelay $0x4  }
0xe3: {  	[tilespmem:s14], [sflag:$0x4] =	stream.indirect_vreg.gather [hbm4b:s1+s3], $0x80, v4, vm0, $0xb8;
	[tilespmem:$0x10200] =	vst v63  }
0xe4: {  	v3 =	vperm.xlane v3, v2  }
0xe5: {  	[tilespmem:s15], [sflag:$0x4] =	stream.indirect_vreg.gather [hbm4b:s5+s3], $0x80, v4, vm0, $0xb8;
	[tilespmem:$0x10200] =	vst v63  }
0xe6: {  	v3 =	vadd.s32 v1, v3  }
0xe7: {  	[tilespmem:s16], [sflag:$0x4] =	stream.indirect_vreg.gather [hbm4b:s6+s3], $0x80, v4, vm0, $0xb8;
	[tilespmem:$0x10200] =	vst v63  }
0xe8: {  	_ = 	snop  }
0xe9: {  	[tilespmem:s17], [sflag:$0x4] =	stream.indirect_vreg.gather [hbm4b:s7+s3], $0x80, v4, vm0, $0xb8;
	[tilespmem:$0x10200] =	vst v63  }
0xea: {  	_ = 	snop  }
0xeb: {  	[tilespmem:s18], [sflag:$0x4] =	stream.indirect_vreg.gather [hbm4b:s1+s3], $0x80, v3, vm0, $0xb8;
	[tilespmem:$0x10200] =	vst v63  }
0xec: {  	_ = 	snop  }
0xed: {  	[tilespmem:s20], [sflag:$0x4] =	stream.indirect_vreg.gather [hbm4b:s5+s3], $0x80, v3, vm0, $0xb8;
	[tilespmem:$0x10200] =	vst v63  }
.Ltmp3:
0xee: {  	_ = 	snop;
	(pc) =	sbr.rel .LBB2_2-.Ltmp3, $4  }
0xef: {  	_ = 	snop  }
0xf0: {  	[tilespmem:s21], [sflag:$0x4] =	stream.indirect_vreg.gather [hbm4b:s6+s3], $0x80, v3, vm0, $0xb8;
	[tilespmem:$0x10200] =	vst v63  }
0xf1: {  	s13 =	sadd.s32 $0x2000, s13;
	s12 =	sadd.s32 $0x40, s12  }
0xf2: {  	[tilespmem:s22], [sflag:$0x4] =	stream.indirect_vreg.gather [hbm4b:s7+s3], $0x80, v3, vm0, $0xb8;
	[tilespmem:$0x10200] =	vst v63  }
.LBB2_5:
0xf3: {  	_ =	sfence.sel $0x180000  }
0xf4: {  	[bflag:$0x0] =	sbarrier.arrive $0xFFFF  }
0xf5: {  	_ =	strace $0x90000047  }
0xf6: {  	s0 =	stileid.u32;
	[bflag:$0x2] =	sbarrier.arrive $0xFFFF  }
0xf7: {  	p0 =	sne.s32 s0, $0x0;
	s0 =	rddreg [dreg:$0x3]  }
0xf8: {  	s0 =	sadd.s32 @!p0 $0x100000, s0  }
0xf9: {  	[sflag:s0] =	ssyncadd.tile.s32 @!p0 $0x1;
	_ =	shalt  }
.Lfunc_end2:
_tile_overlayer_lowered:
.L_overlay_start_2:
0xfa: {  	(tag) =	ssettag $0x2  }
0xfb: {  	s0 =	rddreg [dreg:$0x0];
	s2 =	stileid.u32  }
0xfc: {  	s1 =	rddreg [dreg:$0x1];
	p0 =	sne.s32 s2, $0x0  }
0xfd: {  	s3 =	rddreg [dreg:$0x2];
	[bflag:$0x3] =	sbarrier.arrive $0xFFFF;
	s2 =	simm.s32 @!p0 $0x1C09  }
0xfe: {  	[timem:s3], [sflag:s2] =	dma.local @!p0 [hbm:s0], s1  }
0xff: {  	s0 =	simm.s32 @!p0 $0x9  }
0x100: {  	_ =	swait.ge @!p0 [sflag:s0], s1  }
0x101: {  	s1 =	ssub.s32 @!p0 $0x0, s1;
	[sflag:s0] =	ssyncset.done @!p0 $0x0  }
0x102: {  	[sflag:s0] =	ssyncadd.s32 @!p0 s1  }
0x103: {  	[bflag:$0x3] =	sbarrier.arrive $0xFFFF  }
0x104: {  	_ =	shalt  }

</sc_bundles>
